<compile_context>
chip_gen: v7x
topology: tpu7x:2x2x1
jax: 0.10.2.dev20260603
libtpu: 0.0.44.dev20260713+nightly
codegen_flags: <defaults>
</compile_context>

<pallas_src>
import functools

import jax
import jax.numpy as jnp
from jax import lax
from jax.experimental import pallas as pl
from jax.experimental.pallas import tpu as pltpu
from jax.experimental.pallas import tpu_sc as plsc

N = 10000
NP = 10240
E = 160000
D_IN = 256
D_HID = 512
D_OUT = 64

NS = 16
NC = 2
EB = 128
DC = 128
STEPS_A = -(-E // (NS * EB))
STEPS_B = -(-E // (NC * NS * EB))
RPT = NP // NS

F32 = jnp.float32


def _make_agg_chunked(n_chunks: int):
    ch_per_core = n_chunks // NC
    mesh = plsc.VectorSubcoreMesh(core_axis_name="c", subcore_axis_name="s")

    @functools.partial(
        pl.kernel,
        out_type=jax.ShapeDtypeStruct((n_chunks, NP, DC), F32),
        mesh=mesh,
        scratch_types=[
            pltpu.VMEM((STEPS_A, EB), jnp.int32),
            pltpu.VMEM((STEPS_A, EB), jnp.int32),
            pltpu.VMEM((EB, DC), F32),
            pltpu.VMEM_SHARED((NP, DC), F32),
            pltpu.SemaphoreType.DMA,
            pltpu.SemaphoreType.DMA,
        ],
    )
    def agg(g_hbm, src_hbm, dst_hbm, out_hbm, idx_s, idx_d, rows, acc, gsem, ssem):
        cid = lax.axis_index("c")
        sid = lax.axis_index("s")
        pltpu.sync_copy(src_hbm.at[sid], idx_s)
        pltpu.sync_copy(dst_hbm.at[sid], idx_d)
        row0 = sid * RPT
        for q in range(ch_per_core):
            chunk = cid * ch_per_core + q
            gch = g_hbm.at[chunk]
            pltpu.sync_copy(gch.at[pl.ds(row0, RPT)], acc.at[pl.ds(row0, RPT)])
            plsc.subcore_barrier()

            def step(j, carry):
                pltpu.async_copy(gch.at[idx_s.at[j]], rows, gsem).wait()
                pltpu.async_copy(rows, acc.at[idx_d.at[j]], ssem, add=True).wait()
                return carry

            lax.fori_loop(0, STEPS_A, step, 0)
            plsc.subcore_barrier()
            pltpu.sync_copy(acc.at[pl.ds(row0, RPT)],
                            out_hbm.at[chunk].at[pl.ds(row0, RPT)])
            plsc.subcore_barrier()

    return agg


def _make_agg_split():
    mesh = plsc.VectorSubcoreMesh(core_axis_name="c", subcore_axis_name="s")

    @functools.partial(
        pl.kernel,
        out_type=jax.ShapeDtypeStruct((NC, NP, DC), F32),
        mesh=mesh,
        scratch_types=[
            pltpu.VMEM((STEPS_B, EB), jnp.int32),
            pltpu.VMEM((STEPS_B, EB), jnp.int32),
            pltpu.VMEM((EB, DC), F32),
            pltpu.VMEM_SHARED((NP, DC), F32),
            pltpu.SemaphoreType.DMA,
            pltpu.SemaphoreType.DMA,
        ],
    )
    def agg(g_hbm, src_hbm, dst_hbm, out_hbm, idx_s, idx_d, rows, acc, gsem, ssem):
        cid = lax.axis_index("c")
        sid = lax.axis_index("s")
        tid = cid * NS + sid
        pltpu.sync_copy(src_hbm.at[tid], idx_s)
        pltpu.sync_copy(dst_hbm.at[tid], idx_d)
        row0 = sid * RPT
        gch = g_hbm.at[0]
        pltpu.sync_copy(gch.at[pl.ds(row0, RPT)], acc.at[pl.ds(row0, RPT)])
        plsc.subcore_barrier()

        def step(j, carry):
            pltpu.async_copy(gch.at[idx_s.at[j]], rows, gsem).wait()
            pltpu.async_copy(rows, acc.at[idx_d.at[j]], ssem, add=True).wait()
            return carry

        lax.fori_loop(0, STEPS_B, step, 0)
        plsc.subcore_barrier()
        pltpu.sync_copy(acc.at[pl.ds(row0, RPT)],
                        out_hbm.at[cid].at[pl.ds(row0, RPT)])

    return agg


_agg_256 = _make_agg_chunked(2)
_agg_512 = _make_agg_chunked(4)
_agg_split = _make_agg_split()

BM = 1024
_PREC = lax.Precision.HIGHEST


def _tc1_body(degp_ref, x_ref, g0_ref, inv_ref):
    i = pl.program_id(0)
    row = lax.broadcasted_iota(jnp.int32, (BM, 1), 0) + i * BM
    deg = degp_ref[0, :, 0:1] + degp_ref[1, :, 0:1] - 1.0
    inv = jnp.where(row < N, lax.rsqrt(deg), 0.0)
    g0 = inv * x_ref[...]
    g0_ref[0] = g0[:, :128]
    g0_ref[1] = g0[:, 128:]
    inv_ref[...] = jnp.broadcast_to(inv, (BM, 8))


def _tc2_body(a_ref, inv_ref, w_ref, b_ref, out_ref):
    inv = inv_ref[:, 0:1]
    acc = jnp.dot(a_ref[0], w_ref[pl.ds(0, 128), :], precision=_PREC)
    acc = acc + jnp.dot(a_ref[1], w_ref[pl.ds(128, 128), :], precision=_PREC)
    g = inv * jnp.maximum(inv * acc + b_ref[...], 0.0)
    for c in range(4):
        out_ref[c] = g[:, c * 128:(c + 1) * 128]


def _tc3_body(a_ref, inv_ref, w2_ref, b2_ref, w3_ref, out_ref):
    inv = inv_ref[:, 0:1]
    acc = jnp.dot(a_ref[0], w2_ref[pl.ds(0, 128), :], precision=_PREC)
    for c in range(1, 4):
        acc = acc + jnp.dot(a_ref[c], w2_ref[pl.ds(c * 128, 128), :],
                            precision=_PREC)
    h = jnp.maximum(inv * acc + b2_ref[...], 0.0)
    g = inv * jnp.dot(h, w3_ref[...], precision=_PREC)
    out_ref[0] = jnp.concatenate([g, jnp.zeros((BM, DC - D_OUT), F32)], axis=1)


def _tc4_body(a_ref, g2_ref, inv_ref, b_ref, out_ref):
    inv = inv_ref[:, 0:1]
    agg = a_ref[0, :, :D_OUT] + a_ref[1, :, :D_OUT] - g2_ref[0, :, :D_OUT]
    out_ref[...] = inv * agg + b_ref[...]


def kernel(x, edge_index, W1, b1, W2, b2, W3, b3):
    src = edge_index[0].astype(jnp.int32)
    dst = edge_index[1].astype(jnp.int32)
    padA = jnp.full((NS * STEPS_A * EB - E,), N, jnp.int32)
    srcA = jnp.concatenate([src, padA]).reshape(NS, STEPS_A, EB)
    dstA = jnp.concatenate([dst, padA]).reshape(NS, STEPS_A, EB)
    padB = jnp.full((NC * NS * STEPS_B * EB - E,), N, jnp.int32)
    srcB = jnp.concatenate([src, padB]).reshape(NC * NS, STEPS_B, EB)
    dstB = jnp.concatenate([dst, padB]).reshape(NC * NS, STEPS_B, EB)
    x_pad = jnp.pad(x, ((0, NP - N), (0, 0)))
    row_real = (jnp.arange(NP, dtype=jnp.int32) < N).astype(F32)
    ones_c = jnp.broadcast_to(row_real[None, :, None], (1, NP, DC))
    b1r = b1.reshape(1, D_HID)
    b2r = b2.reshape(1, D_HID)
    b3r = b3.reshape(1, D_OUT)

    deg_p = _agg_split(ones_c, srcB, dstB)

    g0c, inv8 = pl.pallas_call(
        _tc1_body,
        grid=(NP // BM,),
        in_specs=[
            pl.BlockSpec((2, BM, DC), lambda i: (0, i, 0)),
            pl.BlockSpec((BM, D_IN), lambda i: (i, 0)),
        ],
        out_specs=[
            pl.BlockSpec((2, BM, 128), lambda i: (0, i, 0)),
            pl.BlockSpec((BM, 8), lambda i: (i, 0)),
        ],
        out_shape=[
            jax.ShapeDtypeStruct((2, NP, 128), F32),
            jax.ShapeDtypeStruct((NP, 8), F32),
        ],
    )(deg_p, x_pad)

    a1c = _agg_256(g0c, srcA, dstA)
    g1c = pl.pallas_call(
        _tc2_body,
        grid=(NP // BM,),
        in_specs=[
            pl.BlockSpec((2, BM, 128), lambda i: (0, i, 0)),
            pl.BlockSpec((BM, 8), lambda i: (i, 0)),
            pl.BlockSpec((D_IN, D_HID), lambda i: (0, 0)),
            pl.BlockSpec((1, D_HID), lambda i: (0, 0)),
        ],
        out_specs=pl.BlockSpec((4, BM, 128), lambda i: (0, i, 0)),
        out_shape=jax.ShapeDtypeStruct((4, NP, 128), F32),
    )(a1c, inv8, W1, b1r)

    a2c = _agg_512(g1c, srcA, dstA)
    g2c = pl.pallas_call(
        _tc3_body,
        grid=(NP // BM,),
        in_specs=[
            pl.BlockSpec((4, BM, 128), lambda i: (0, i, 0)),
            pl.BlockSpec((BM, 8), lambda i: (i, 0)),
            pl.BlockSpec((D_HID, D_HID), lambda i: (0, 0)),
            pl.BlockSpec((1, D_HID), lambda i: (0, 0)),
            pl.BlockSpec((D_HID, D_OUT), lambda i: (0, 0)),
        ],
        out_specs=pl.BlockSpec((1, BM, DC), lambda i: (0, i, 0)),
        out_shape=jax.ShapeDtypeStruct((1, NP, DC), F32),
    )(a2c, inv8, W2, b2r, W3)

    a3p = _agg_split(g2c, srcB, dstB)
    BM4 = 2000
    out = pl.pallas_call(
        _tc4_body,
        grid=(N // BM4,),
        in_specs=[
            pl.BlockSpec((2, BM4, DC), lambda i: (0, i, 0)),
            pl.BlockSpec((1, BM4, DC), lambda i: (0, i, 0)),
            pl.BlockSpec((BM4, 8), lambda i: (i, 0)),
            pl.BlockSpec((1, D_OUT), lambda i: (0, 0)),
        ],
        out_specs=pl.BlockSpec((BM4, D_OUT), lambda i: (i, 0)),
        out_shape=jax.ShapeDtypeStruct((N, D_OUT), F32),
    )(a3p, g2c, inv8, b3r)
    return out

# --- scband reference (transcript-rebuilt; emitter-appended) ---
"""Pipeline reference for scband-gcn-35442070127325 (READ-ONLY COPY).

The authoritative reference and input builder live on the scoring server;
editing this copy changes nothing except your own understanding.
"""

import jax, jax.numpy as jnp
import numpy as np

N_NODES = 10000
N_EDGES = 160000
D_IN = 256
D_HID = 512
N_CLASSES = 64


def glorot(key, shape):
    fan_in, fan_out = shape[0], shape[1]
    limit = np.sqrt(6.0 / (fan_in + fan_out))
    return jax.random.uniform(key, shape, dtype=jnp.float32, minval=-limit, maxval=limit)


def setup_inputs(seed: int = 0) -> dict:
    key = jax.random.key(seed)
    ks = jax.random.split(key, 8)
    x = jax.random.normal(ks[0], (N_NODES, D_IN), dtype=jnp.float32)
    edge_index = jax.random.randint(ks[1], (2, N_EDGES), 0, N_NODES, dtype=jnp.int64) if jax.config.jax_enable_x64 else jax.random.randint(ks[1], (2, N_EDGES), 0, N_NODES, dtype=jnp.int32)
    W1 = glorot(ks[2], (D_IN, D_HID))
    b1 = jnp.zeros((D_HID,), dtype=jnp.float32)
    W2 = glorot(ks[3], (D_HID, D_HID))
    b2 = jnp.zeros((D_HID,), dtype=jnp.float32)
    W3 = glorot(ks[4], (D_HID, N_CLASSES))
    b3 = jnp.zeros((N_CLASSES,), dtype=jnp.float32)
    return {"x": x, "edge_index": edge_index, "W1": W1, "b1": b1, "W2": W2, "b2": b2, "W3": W3, "b3": b3}


def gcn_conv(x, src, dst, norm, W, b, num_nodes):
    h = x @ W
    msg = h[src] * norm[:, None]
    out = jax.ops.segment_sum(msg, dst, num_segments=num_nodes)
    return out + b


def reference(x, edge_index, W1, b1, W2, b2, W3, b3):
    N = x.shape[0]
    loops = jnp.arange(N, dtype=edge_index.dtype)
    src = jnp.concatenate([edge_index[0], loops])
    dst = jnp.concatenate([edge_index[1], loops])
    ones = jnp.ones(src.shape[0], dtype=x.dtype)
    deg = jax.ops.segment_sum(ones, dst, num_segments=N)
    inv_sqrt = jnp.where(deg > 0, deg ** -0.5, 0.0)
    norm = inv_sqrt[src] * inv_sqrt[dst]
    h = gcn_conv(x, src, dst, norm, W1, b1, N)
    h = jax.nn.relu(h)
    h = gcn_conv(h, src, dst, norm, W2, b2, N)
    h = jax.nn.relu(h)
    # dropout p=0.5 is identity in eval mode (training=False)
    out = gcn_conv(h, src, dst, norm, W3, b3, N)
    return out

if __name__ == "__main__":
    import jax
    _d = setup_inputs()
    print(jax.jit(kernel)(*tuple(_d.values())))

</pallas_src>

<mosaic_0001>
#map = affine_map<(d0, d1) -> (0, 0, 0)>
module attributes {stable_mosaic.version = 14 : i64} {
  func.func @agg(%arg0: i32, %arg1: i32, %arg2: memref<1x10240x128xf32, #tpu.memory_space<hbm>>, %arg3: memref<32x40x128xi32, #tpu.memory_space<hbm>>, %arg4: memref<32x40x128xi32, #tpu.memory_space<hbm>>, %arg5: memref<2x10240x128xf32, #tpu.memory_space<hbm>>, %arg6: memref<40x128xi32, #tpu.memory_space<vmem>>, %arg7: memref<40x128xi32, #tpu.memory_space<vmem>>, %arg8: memref<128x128xf32, #tpu.memory_space<vmem>>, %arg9: memref<10240x128xf32, #tpu.memory_space<vmem_shared>>, %arg10: memref<!tpu.dma_semaphore, #tpu.memory_space<semaphore_mem>>, %arg11: memref<!tpu.dma_semaphore, #tpu.memory_space<semaphore_mem>>) attributes {dimension_semantics = [#tpu.dimension_semantics<core_parallel>, #tpu.dimension_semantics<subcore_parallel>], iteration_bounds = array<i64: 2, 16>, scalar_prefetch = 0 : i64, scratch_operands = 6 : i64, tpu.core_type = #tpu.core_type<sc_vector_subcore>, window_params = [{transform_indices = #map}, {transform_indices = #map}, {transform_indices = #map}, {transform_indices = #map}]} {
    %mul3A = arith.constant 16 : i32
    %mul3A_0 = arith.muli %arg0, %mul3A : i32
    %add3A = arith.addi %mul3A_0, %arg1 : i32
    "tpu.region"() ({
      %run_scoped3A_10 = tpu.sem_alloc : memref<!tpu.dma_semaphore, #tpu.memory_space<semaphore_mem>>
      %dma_start3A = arith.constant 0 : i32
      %dma_start3A_11 = arith.constant 0 : i32
      %dma_start3A_12 = tpu.memref_slice %arg3[%add3A, %dma_start3A, %dma_start3A_11] : memref<32x40x128xi32, #tpu.memory_space<hbm>> -> memref<1x40x128xi32, #tpu.memory_space<hbm>>
      %dma_start3A_13 = tpu.memref_squeeze %dma_start3A_12 : memref<1x40x128xi32, #tpu.memory_space<hbm>> -> memref<40x128xi32, #tpu.memory_space<hbm>>
      %dma_start3A_14 = arith.constant 0 : i32
      %dma_start3A_15 = arith.constant 0 : i32
      %dma_start3A_16 = tpu.memref_slice %arg3[%add3A, %dma_start3A_14, %dma_start3A_15] : memref<32x40x128xi32, #tpu.memory_space<hbm>> -> memref<1x40x128xi32, #tpu.memory_space<hbm>>
      %dma_start3A_17 = tpu.memref_squeeze %dma_start3A_16 : memref<1x40x128xi32, #tpu.memory_space<hbm>> -> memref<40x128xi32, #tpu.memory_space<hbm>>
      tpu.enqueue_dma source(%dma_start3A_17 : memref<40x128xi32, #tpu.memory_space<hbm>>) target(%arg6 : memref<40x128xi32, #tpu.memory_space<vmem>>) target_semaphore(%run_scoped3A_10 : memref<!tpu.dma_semaphore, #tpu.memory_space<semaphore_mem>>)
      %dma_wait3A = arith.constant 0 : i32
      %dma_wait3A_18 = arith.constant 0 : i32
      %dma_wait3A_19 = tpu.memref_slice %arg3[%add3A, %dma_wait3A, %dma_wait3A_18] : memref<32x40x128xi32, #tpu.memory_space<hbm>> -> memref<1x40x128xi32, #tpu.memory_space<hbm>>
      %dma_wait3A_20 = tpu.memref_squeeze %dma_wait3A_19 : memref<1x40x128xi32, #tpu.memory_space<hbm>> -> memref<40x128xi32, #tpu.memory_space<hbm>>
      %dma_wait3A_21 = arith.constant 0 : i32
      %dma_wait3A_22 = arith.constant 0 : i32
      %dma_wait3A_23 = tpu.memref_slice %arg3[%add3A, %dma_wait3A_21, %dma_wait3A_22] : memref<32x40x128xi32, #tpu.memory_space<hbm>> -> memref<1x40x128xi32, #tpu.memory_space<hbm>>
      %dma_wait3A_24 = tpu.memref_squeeze %dma_wait3A_23 : memref<1x40x128xi32, #tpu.memory_space<hbm>> -> memref<40x128xi32, #tpu.memory_space<hbm>>
      tpu.wait_dma2 semaphore(%run_scoped3A_10 : memref<!tpu.dma_semaphore, #tpu.memory_space<semaphore_mem>>) src(%dma_wait3A_24 : memref<40x128xi32, #tpu.memory_space<hbm>>) dst(%arg6 : memref<40x128xi32, #tpu.memory_space<vmem>>)
      tpu.yield
    }) : () -> ()
    "tpu.region"() ({
      %run_scoped3A_10 = tpu.sem_alloc : memref<!tpu.dma_semaphore, #tpu.memory_space<semaphore_mem>>
      %dma_start3A = arith.constant 0 : i32
      %dma_start3A_11 = arith.constant 0 : i32
      %dma_start3A_12 = tpu.memref_slice %arg4[%add3A, %dma_start3A, %dma_start3A_11] : memref<32x40x128xi32, #tpu.memory_space<hbm>> -> memref<1x40x128xi32, #tpu.memory_space<hbm>>
      %dma_start3A_13 = tpu.memref_squeeze %dma_start3A_12 : memref<1x40x128xi32, #tpu.memory_space<hbm>> -> memref<40x128xi32, #tpu.memory_space<hbm>>
      %dma_start3A_14 = arith.constant 0 : i32
      %dma_start3A_15 = arith.constant 0 : i32
      %dma_start3A_16 = tpu.memref_slice %arg4[%add3A, %dma_start3A_14, %dma_start3A_15] : memref<32x40x128xi32, #tpu.memory_space<hbm>> -> memref<1x40x128xi32, #tpu.memory_space<hbm>>
      %dma_start3A_17 = tpu.memref_squeeze %dma_start3A_16 : memref<1x40x128xi32, #tpu.memory_space<hbm>> -> memref<40x128xi32, #tpu.memory_space<hbm>>
      tpu.enqueue_dma source(%dma_start3A_17 : memref<40x128xi32, #tpu.memory_space<hbm>>) target(%arg7 : memref<40x128xi32, #tpu.memory_space<vmem>>) target_semaphore(%run_scoped3A_10 : memref<!tpu.dma_semaphore, #tpu.memory_space<semaphore_mem>>)
      %dma_wait3A = arith.constant 0 : i32
      %dma_wait3A_18 = arith.constant 0 : i32
      %dma_wait3A_19 = tpu.memref_slice %arg4[%add3A, %dma_wait3A, %dma_wait3A_18] : memref<32x40x128xi32, #tpu.memory_space<hbm>> -> memref<1x40x128xi32, #tpu.memory_space<hbm>>
      %dma_wait3A_20 = tpu.memref_squeeze %dma_wait3A_19 : memref<1x40x128xi32, #tpu.memory_space<hbm>> -> memref<40x128xi32, #tpu.memory_space<hbm>>
      %dma_wait3A_21 = arith.constant 0 : i32
      %dma_wait3A_22 = arith.constant 0 : i32
      %dma_wait3A_23 = tpu.memref_slice %arg4[%add3A, %dma_wait3A_21, %dma_wait3A_22] : memref<32x40x128xi32, #tpu.memory_space<hbm>> -> memref<1x40x128xi32, #tpu.memory_space<hbm>>
      %dma_wait3A_24 = tpu.memref_squeeze %dma_wait3A_23 : memref<1x40x128xi32, #tpu.memory_space<hbm>> -> memref<40x128xi32, #tpu.memory_space<hbm>>
      tpu.wait_dma2 semaphore(%run_scoped3A_10 : memref<!tpu.dma_semaphore, #tpu.memory_space<semaphore_mem>>) src(%dma_wait3A_24 : memref<40x128xi32, #tpu.memory_space<hbm>>) dst(%arg7 : memref<40x128xi32, #tpu.memory_space<vmem>>)
      tpu.yield
    }) : () -> ()
    %mul3A_1 = arith.constant 640 : i32
    %mul3A_2 = arith.muli %arg1, %mul3A_1 : i32
    %run_scoped3A = arith.constant 0 : i32
    "tpu.region"() ({
      %run_scoped3A_10 = tpu.sem_alloc : memref<!tpu.dma_semaphore, #tpu.memory_space<semaphore_mem>>
      %dma_start3A = arith.constant 0 : i32
      %dma_start3A_11 = tpu.memref_slice %arg9[%mul3A_2, %dma_start3A] : memref<10240x128xf32, #tpu.memory_space<vmem_shared>> -> memref<640x128xf32, #tpu.memory_space<vmem_shared>>
      %dma_start3A_12 = arith.constant 0 : i32
      %dma_start3A_13 = arith.constant 0 : i32
      %dma_start3A_14 = tpu.memref_slice %arg2[%run_scoped3A, %dma_start3A_12, %dma_start3A_13] : memref<1x10240x128xf32, #tpu.memory_space<hbm>> -> memref<1x10240x128xf32, #tpu.memory_space<hbm>>
      %dma_start3A_15 = tpu.memref_squeeze %dma_start3A_14 : memref<1x10240x128xf32, #tpu.memory_space<hbm>> -> memref<10240x128xf32, #tpu.memory_space<hbm>>
      %dma_start3A_16 = arith.constant 0 : i32
      %dma_start3A_17 = tpu.memref_slice %dma_start3A_15[%mul3A_2, %dma_start3A_16] : memref<10240x128xf32, #tpu.memory_space<hbm>> -> memref<640x128xf32, #tpu.memory_space<hbm>>
      tpu.enqueue_dma source(%dma_start3A_17 : memref<640x128xf32, #tpu.memory_space<hbm>>) target(%dma_start3A_11 : memref<640x128xf32, #tpu.memory_space<vmem_shared>>) target_semaphore(%run_scoped3A_10 : memref<!tpu.dma_semaphore, #tpu.memory_space<semaphore_mem>>)
      %dma_wait3A = arith.constant 0 : i32
      %dma_wait3A_18 = tpu.memref_slice %arg9[%mul3A_2, %dma_wait3A] : memref<10240x128xf32, #tpu.memory_space<vmem_shared>> -> memref<640x128xf32, #tpu.memory_space<vmem_shared>>
      %dma_wait3A_19 = arith.constant 0 : i32
      %dma_wait3A_20 = arith.constant 0 : i32
      %dma_wait3A_21 = tpu.memref_slice %arg2[%run_scoped3A, %dma_wait3A_19, %dma_wait3A_20] : memref<1x10240x128xf32, #tpu.memory_space<hbm>> -> memref<1x10240x128xf32, #tpu.memory_space<hbm>>
      %dma_wait3A_22 = tpu.memref_squeeze %dma_wait3A_21 : memref<1x10240x128xf32, #tpu.memory_space<hbm>> -> memref<10240x128xf32, #tpu.memory_space<hbm>>
      %dma_wait3A_23 = arith.constant 0 : i32
      %dma_wait3A_24 = tpu.memref_slice %dma_wait3A_22[%mul3A_2, %dma_wait3A_23] : memref<10240x128xf32, #tpu.memory_space<hbm>> -> memref<640x128xf32, #tpu.memory_space<hbm>>
      tpu.wait_dma2 semaphore(%run_scoped3A_10 : memref<!tpu.dma_semaphore, #tpu.memory_space<semaphore_mem>>) src(%dma_wait3A_24 : memref<640x128xf32, #tpu.memory_space<hbm>>) dst(%dma_wait3A_18 : memref<640x128xf32, #tpu.memory_space<vmem_shared>>)
      tpu.yield
    }) : () -> ()
    %barrier3A = arith.constant 0 : index
    tpu.barrier barrier_id(%barrier3A)
    %scan3A = arith.constant 0 : i32
    %scan3A_3 = arith.constant 0 : i32
    %scan3A_4 = arith.constant 0 : i32
    %scan3A_5 = arith.constant 40 : i32
    %scan3A_6 = arith.addi %scan3A_4, %scan3A_5 : i32
    %scan3A_7 = arith.constant 1 : i32
    scf.for %scan3A_10 = %scan3A_4 to %scan3A_6 step %scan3A_7  : i32 {
      %dma_start3A = arith.constant 0 : i32
      %dma_start3A_11 = tpu.memref_slice %arg6[%scan3A_10, %dma_start3A] : memref<40x128xi32, #tpu.memory_space<vmem>> -> memref<1x128xi32, #tpu.memory_space<vmem>>
      %dma_start3A_12 = tpu.memref_squeeze %dma_start3A_11 : memref<1x128xi32, #tpu.memory_space<vmem>> -> memref<128xi32, #tpu.memory_space<vmem>>
      %dma_start3A_13 = arith.constant 0 : i32
      %dma_start3A_14 = arith.constant 0 : i32
      %dma_start3A_15 = tpu.memref_slice %arg2[%scan3A_3, %dma_start3A_13, %dma_start3A_14] : memref<1x10240x128xf32, #tpu.memory_space<hbm>> -> memref<1x10240x128xf32, #tpu.memory_space<hbm>>
      %dma_start3A_16 = tpu.memref_squeeze %dma_start3A_15 : memref<1x10240x128xf32, #tpu.memory_space<hbm>> -> memref<10240x128xf32, #tpu.memory_space<hbm>>
      %dma_start3A_17 = arith.constant 0 : i32
      %dma_start3A_18 = arith.constant 0 : i32
      %dma_start3A_19 = tpu.memref_slice %dma_start3A_16[%dma_start3A_17, %dma_start3A_18] : memref<10240x128xf32, #tpu.memory_space<hbm>> -> memref<10240x128xf32, #tpu.memory_space<hbm>>
      tpu.enqueue_indirect_dma source(%dma_start3A_19 : memref<10240x128xf32, #tpu.memory_space<hbm>>) target(%arg8 : memref<128x128xf32, #tpu.memory_space<vmem>>) offsets(%dma_start3A_12 : memref<128xi32, #tpu.memory_space<vmem>>) semaphore(%arg10 : memref<!tpu.dma_semaphore, #tpu.memory_space<semaphore_mem>>)
      %dma_wait3A = arith.constant 0 : i32
      %dma_wait3A_20 = tpu.memref_slice %arg6[%scan3A_10, %dma_wait3A] : memref<40x128xi32, #tpu.memory_space<vmem>> -> memref<1x128xi32, #tpu.memory_space<vmem>>
      %dma_wait3A_21 = tpu.memref_squeeze %dma_wait3A_20 : memref<1x128xi32, #tpu.memory_space<vmem>> -> memref<128xi32, #tpu.memory_space<vmem>>
      %dma_wait3A_22 = arith.constant 0 : i32
      %dma_wait3A_23 = arith.constant 0 : i32
      %dma_wait3A_24 = tpu.memref_slice %arg2[%scan3A_3, %dma_wait3A_22, %dma_wait3A_23] : memref<1x10240x128xf32, #tpu.memory_space<hbm>> -> memref<1x10240x128xf32, #tpu.memory_space<hbm>>
      %dma_wait3A_25 = tpu.memref_squeeze %dma_wait3A_24 : memref<1x10240x128xf32, #tpu.memory_space<hbm>> -> memref<10240x128xf32, #tpu.memory_space<hbm>>
      %dma_wait3A_26 = arith.constant 0 : i32
      %dma_wait3A_27 = arith.constant 0 : i32
      %dma_wait3A_28 = tpu.memref_slice %dma_wait3A_25[%dma_wait3A_26, %dma_wait3A_27] : memref<10240x128xf32, #tpu.memory_space<hbm>> -> memref<10240x128xf32, #tpu.memory_space<hbm>>
      tpu.wait_indirect_dma semaphore(%arg10 : memref<!tpu.dma_semaphore, #tpu.memory_space<semaphore_mem>>) src(%dma_wait3A_28 : memref<10240x128xf32, #tpu.memory_space<hbm>>) dst(%arg8 : memref<128x128xf32, #tpu.memory_space<vmem>>)
      %dma_start3A_29 = arith.constant 0 : i32
      %dma_start3A_30 = tpu.memref_slice %arg7[%scan3A_10, %dma_start3A_29] : memref<40x128xi32, #tpu.memory_space<vmem>> -> memref<1x128xi32, #tpu.memory_space<vmem>>
      %dma_start3A_31 = tpu.memref_squeeze %dma_start3A_30 : memref<1x128xi32, #tpu.memory_space<vmem>> -> memref<128xi32, #tpu.memory_space<vmem>>
      %dma_start3A_32 = arith.constant 0 : i32
      %dma_start3A_33 = arith.constant 0 : i32
      %dma_start3A_34 = tpu.memref_slice %arg9[%dma_start3A_32, %dma_start3A_33] : memref<10240x128xf32, #tpu.memory_space<vmem_shared>> -> memref<10240x128xf32, #tpu.memory_space<vmem_shared>>
      tpu.enqueue_indirect_dma source(%arg8 : memref<128x128xf32, #tpu.memory_space<vmem>>) target(%dma_start3A_34 : memref<10240x128xf32, #tpu.memory_space<vmem_shared>>) offsets(%dma_start3A_31 : memref<128xi32, #tpu.memory_space<vmem>>) semaphore(%arg11 : memref<!tpu.dma_semaphore, #tpu.memory_space<semaphore_mem>>) {add = true}
      %dma_wait3A_35 = arith.constant 0 : i32
      %dma_wait3A_36 = tpu.memref_slice %arg7[%scan3A_10, %dma_wait3A_35] : memref<40x128xi32, #tpu.memory_space<vmem>> -> memref<1x128xi32, #tpu.memory_space<vmem>>
      %dma_wait3A_37 = tpu.memref_squeeze %dma_wait3A_36 : memref<1x128xi32, #tpu.memory_space<vmem>> -> memref<128xi32, #tpu.memory_space<vmem>>
      %dma_wait3A_38 = arith.constant 0 : i32
      %dma_wait3A_39 = arith.constant 0 : i32
      %dma_wait3A_40 = tpu.memref_slice %arg9[%dma_wait3A_38, %dma_wait3A_39] : memref<10240x128xf32, #tpu.memory_space<vmem_shared>> -> memref<10240x128xf32, #tpu.memory_space<vmem_shared>>
      tpu.wait_indirect_dma semaphore(%arg11 : memref<!tpu.dma_semaphore, #tpu.memory_space<semaphore_mem>>) src(%arg8 : memref<128x128xf32, #tpu.memory_space<vmem>>) dst(%dma_wait3A_40 : memref<10240x128xf32, #tpu.memory_space<vmem_shared>>)
    }
    %scan3A_8 = arith.constant 40 : i32
    %barrier3A_9 = arith.constant 0 : index
    tpu.barrier barrier_id(%barrier3A_9)
    "tpu.region"() ({
      %run_scoped3A_10 = tpu.sem_alloc : memref<!tpu.dma_semaphore, #tpu.memory_space<semaphore_mem>>
      %dma_start3A = arith.constant 0 : i32
      %dma_start3A_11 = arith.constant 0 : i32
      %dma_start3A_12 = tpu.memref_slice %arg5[%arg0, %dma_start3A, %dma_start3A_11] : memref<2x10240x128xf32, #tpu.memory_space<hbm>> -> memref<1x10240x128xf32, #tpu.memory_space<hbm>>
      %dma_start3A_13 = tpu.memref_squeeze %dma_start3A_12 : memref<1x10240x128xf32, #tpu.memory_space<hbm>> -> memref<10240x128xf32, #tpu.memory_space<hbm>>
      %dma_start3A_14 = arith.constant 0 : i32
      %dma_start3A_15 = tpu.memref_slice %dma_start3A_13[%mul3A_2, %dma_start3A_14] : memref<10240x128xf32, #tpu.memory_space<hbm>> -> memref<640x128xf32, #tpu.memory_space<hbm>>
      %dma_start3A_16 = arith.constant 0 : i32
      %dma_start3A_17 = tpu.memref_slice %arg9[%mul3A_2, %dma_start3A_16] : memref<10240x128xf32, #tpu.memory_space<vmem_shared>> -> memref<640x128xf32, #tpu.memory_space<vmem_shared>>
      tpu.enqueue_dma source(%dma_start3A_17 : memref<640x128xf32, #tpu.memory_space<vmem_shared>>) target(%dma_start3A_15 : memref<640x128xf32, #tpu.memory_space<hbm>>) target_semaphore(%run_scoped3A_10 : memref<!tpu.dma_semaphore, #tpu.memory_space<semaphore_mem>>)
      %dma_wait3A = arith.constant 0 : i32
      %dma_wait3A_18 = arith.constant 0 : i32
      %dma_wait3A_19 = tpu.memref_slice %arg5[%arg0, %dma_wait3A, %dma_wait3A_18] : memref<2x10240x128xf32, #tpu.memory_space<hbm>> -> memref<1x10240x128xf32, #tpu.memory_space<hbm>>
      %dma_wait3A_20 = tpu.memref_squeeze %dma_wait3A_19 : memref<1x10240x128xf32, #tpu.memory_space<hbm>> -> memref<10240x128xf32, #tpu.memory_space<hbm>>
      %dma_wait3A_21 = arith.constant 0 : i32
      %dma_wait3A_22 = tpu.memref_slice %dma_wait3A_20[%mul3A_2, %dma_wait3A_21] : memref<10240x128xf32, #tpu.memory_space<hbm>> -> memref<640x128xf32, #tpu.memory_space<hbm>>
      %dma_wait3A_23 = arith.constant 0 : i32
      %dma_wait3A_24 = tpu.memref_slice %arg9[%mul3A_2, %dma_wait3A_23] : memref<10240x128xf32, #tpu.memory_space<vmem_shared>> -> memref<640x128xf32, #tpu.memory_space<vmem_shared>>
      tpu.wait_dma2 semaphore(%run_scoped3A_10 : memref<!tpu.dma_semaphore, #tpu.memory_space<semaphore_mem>>) src(%dma_wait3A_24 : memref<640x128xf32, #tpu.memory_space<vmem_shared>>) dst(%dma_wait3A_22 : memref<640x128xf32, #tpu.memory_space<hbm>>)
      tpu.yield
    }) : () -> ()
    return
  }
}

#map = affine_map<(d0, d1) -> (0, 0, 0)>
module attributes {stable_mosaic.version = 14 : i64} {
  func.func @agg(%arg0: i32, %arg1: i32, %arg2: memref<1x10240x128xf32, #tpu.memory_space<hbm>>, %arg3: memref<32x40x128xi32, #tpu.memory_space<hbm>>, %arg4: memref<32x40x128xi32, #tpu.memory_space<hbm>>, %arg5: memref<2x10240x128xf32, #tpu.memory_space<hbm>>, %arg6: memref<40x128xi32, #tpu.memory_space<vmem>>, %arg7: memref<40x128xi32, #tpu.memory_space<vmem>>, %arg8: memref<128x128xf32, #tpu.memory_space<vmem>>, %arg9: memref<10240x128xf32, #tpu.memory_space<vmem_shared>>, %arg10: memref<!tpu.dma_semaphore, #tpu.memory_space<semaphore_mem>>, %arg11: memref<!tpu.dma_semaphore, #tpu.memory_space<semaphore_mem>>) attributes {dimension_semantics = [#tpu.dimension_semantics<core_parallel>, #tpu.dimension_semantics<subcore_parallel>], iteration_bounds = array<i64: 2, 16>, scalar_prefetch = 0 : i64, scratch_operands = 6 : i64, tpu.core_type = #tpu.core_type<sc_vector_subcore>, window_params = [{transform_indices = #map}, {transform_indices = #map}, {transform_indices = #map}, {transform_indices = #map}]} {
    %mul3A = arith.constant 16 : i32
    %mul3A_0 = arith.muli %arg0, %mul3A : i32
    %add3A = arith.addi %mul3A_0, %arg1 : i32
    "tpu.region"() ({
      %run_scoped3A_10 = tpu.sem_alloc : memref<!tpu.dma_semaphore, #tpu.memory_space<semaphore_mem>>
      %dma_start3A = arith.constant 0 : i32
      %dma_start3A_11 = arith.constant 0 : i32
      %dma_start3A_12 = tpu.memref_slice %arg3[%add3A, %dma_start3A, %dma_start3A_11] : memref<32x40x128xi32, #tpu.memory_space<hbm>> -> memref<1x40x128xi32, #tpu.memory_space<hbm>>
      %dma_start3A_13 = tpu.memref_squeeze %dma_start3A_12 : memref<1x40x128xi32, #tpu.memory_space<hbm>> -> memref<40x128xi32, #tpu.memory_space<hbm>>
      %dma_start3A_14 = arith.constant 0 : i32
      %dma_start3A_15 = arith.constant 0 : i32
      %dma_start3A_16 = tpu.memref_slice %arg3[%add3A, %dma_start3A_14, %dma_start3A_15] : memref<32x40x128xi32, #tpu.memory_space<hbm>> -> memref<1x40x128xi32, #tpu.memory_space<hbm>>
      %dma_start3A_17 = tpu.memref_squeeze %dma_start3A_16 : memref<1x40x128xi32, #tpu.memory_space<hbm>> -> memref<40x128xi32, #tpu.memory_space<hbm>>
      tpu.enqueue_dma source(%dma_start3A_17 : memref<40x128xi32, #tpu.memory_space<hbm>>) target(%arg6 : memref<40x128xi32, #tpu.memory_space<vmem>>) target_semaphore(%run_scoped3A_10 : memref<!tpu.dma_semaphore, #tpu.memory_space<semaphore_mem>>)
      %dma_wait3A = arith.constant 0 : i32
      %dma_wait3A_18 = arith.constant 0 : i32
      %dma_wait3A_19 = tpu.memref_slice %arg3[%add3A, %dma_wait3A, %dma_wait3A_18] : memref<32x40x128xi32, #tpu.memory_space<hbm>> -> memref<1x40x128xi32, #tpu.memory_space<hbm>>
      %dma_wait3A_20 = tpu.memref_squeeze %dma_wait3A_19 : memref<1x40x128xi32, #tpu.memory_space<hbm>> -> memref<40x128xi32, #tpu.memory_space<hbm>>
      %dma_wait3A_21 = arith.constant 0 : i32
      %dma_wait3A_22 = arith.constant 0 : i32
      %dma_wait3A_23 = tpu.memref_slice %arg3[%add3A, %dma_wait3A_21, %dma_wait3A_22] : memref<32x40x128xi32, #tpu.memory_space<hbm>> -> memref<1x40x128xi32, #tpu.memory_space<hbm>>
      %dma_wait3A_24 = tpu.memref_squeeze %dma_wait3A_23 : memref<1x40x128xi32, #tpu.memory_space<hbm>> -> memref<40x128xi32, #tpu.memory_space<hbm>>
      tpu.wait_dma2 semaphore(%run_scoped3A_10 : memref<!tpu.dma_semaphore, #tpu.memory_space<semaphore_mem>>) src(%dma_wait3A_24 : memref<40x128xi32, #tpu.memory_space<hbm>>) dst(%arg6 : memref<40x128xi32, #tpu.memory_space<vmem>>)
      tpu.yield
    }) : () -> ()
    "tpu.region"() ({
      %run_scoped3A_10 = tpu.sem_alloc : memref<!tpu.dma_semaphore, #tpu.memory_space<semaphore_mem>>
      %dma_start3A = arith.constant 0 : i32
      %dma_start3A_11 = arith.constant 0 : i32
      %dma_start3A_12 = tpu.memref_slice %arg4[%add3A, %dma_start3A, %dma_start3A_11] : memref<32x40x128xi32, #tpu.memory_space<hbm>> -> memref<1x40x128xi32, #tpu.memory_space<hbm>>
      %dma_start3A_13 = tpu.memref_squeeze %dma_start3A_12 : memref<1x40x128xi32, #tpu.memory_space<hbm>> -> memref<40x128xi32, #tpu.memory_space<hbm>>
      %dma_start3A_14 = arith.constant 0 : i32
      %dma_start3A_15 = arith.constant 0 : i32
      %dma_start3A_16 = tpu.memref_slice %arg4[%add3A, %dma_start3A_14, %dma_start3A_15] : memref<32x40x128xi32, #tpu.memory_space<hbm>> -> memref<1x40x128xi32, #tpu.memory_space<hbm>>
      %dma_start3A_17 = tpu.memref_squeeze %dma_start3A_16 : memref<1x40x128xi32, #tpu.memory_space<hbm>> -> memref<40x128xi32, #tpu.memory_space<hbm>>
      tpu.enqueue_dma source(%dma_start3A_17 : memref<40x128xi32, #tpu.memory_space<hbm>>) target(%arg7 : memref<40x128xi32, #tpu.memory_space<vmem>>) target_semaphore(%run_scoped3A_10 : memref<!tpu.dma_semaphore, #tpu.memory_space<semaphore_mem>>)
      %dma_wait3A = arith.constant 0 : i32
      %dma_wait3A_18 = arith.constant 0 : i32
      %dma_wait3A_19 = tpu.memref_slice %arg4[%add3A, %dma_wait3A, %dma_wait3A_18] : memref<32x40x128xi32, #tpu.memory_space<hbm>> -> memref<1x40x128xi32, #tpu.memory_space<hbm>>
      %dma_wait3A_20 = tpu.memref_squeeze %dma_wait3A_19 : memref<1x40x128xi32, #tpu.memory_space<hbm>> -> memref<40x128xi32, #tpu.memory_space<hbm>>
      %dma_wait3A_21 = arith.constant 0 : i32
      %dma_wait3A_22 = arith.constant 0 : i32
      %dma_wait3A_23 = tpu.memref_slice %arg4[%add3A, %dma_wait3A_21, %dma_wait3A_22] : memref<32x40x128xi32, #tpu.memory_space<hbm>> -> memref<1x40x128xi32, #tpu.memory_space<hbm>>
      %dma_wait3A_24 = tpu.memref_squeeze %dma_wait3A_23 : memref<1x40x128xi32, #tpu.memory_space<hbm>> -> memref<40x128xi32, #tpu.memory_space<hbm>>
      tpu.wait_dma2 semaphore(%run_scoped3A_10 : memref<!tpu.dma_semaphore, #tpu.memory_space<semaphore_mem>>) src(%dma_wait3A_24 : memref<40x128xi32, #tpu.memory_space<hbm>>) dst(%arg7 : memref<40x128xi32, #tpu.memory_space<vmem>>)
      tpu.yield
    }) : () -> ()
    %mul3A_1 = arith.constant 640 : i32
    %mul3A_2 = arith.muli %arg1, %mul3A_1 : i32
    %run_scoped3A = arith.constant 0 : i32
    "tpu.region"() ({
      %run_scoped3A_10 = tpu.sem_alloc : memref<!tpu.dma_semaphore, #tpu.memory_space<semaphore_mem>>
      %dma_start3A = arith.constant 0 : i32
      %dma_start3A_11 = tpu.memref_slice %arg9[%mul3A_2, %dma_start3A] : memref<10240x128xf32, #tpu.memory_space<vmem_shared>> -> memref<640x128xf32, #tpu.memory_space<vmem_shared>>
      %dma_start3A_12 = arith.constant 0 : i32
      %dma_start3A_13 = arith.constant 0 : i32
      %dma_start3A_14 = tpu.memref_slice %arg2[%run_scoped3A, %dma_start3A_12, %dma_start3A_13] : memref<1x10240x128xf32, #tpu.memory_space<hbm>> -> memref<1x10240x128xf32, #tpu.memory_space<hbm>>
      %dma_start3A_15 = tpu.memref_squeeze %dma_start3A_14 : memref<1x10240x128xf32, #tpu.memory_space<hbm>> -> memref<10240x128xf32, #tpu.memory_space<hbm>>
      %dma_start3A_16 = arith.constant 0 : i32
      %dma_start3A_17 = tpu.memref_slice %dma_start3A_15[%mul3A_2, %dma_start3A_16] : memref<10240x128xf32, #tpu.memory_space<hbm>> -> memref<640x128xf32, #tpu.memory_space<hbm>>
      tpu.enqueue_dma source(%dma_start3A_17 : memref<640x128xf32, #tpu.memory_space<hbm>>) target(%dma_start3A_11 : memref<640x128xf32, #tpu.memory_space<vmem_shared>>) target_semaphore(%run_scoped3A_10 : memref<!tpu.dma_semaphore, #tpu.memory_space<semaphore_mem>>)
      %dma_wait3A = arith.constant 0 : i32
      %dma_wait3A_18 = tpu.memref_slice %arg9[%mul3A_2, %dma_wait3A] : memref<10240x128xf32, #tpu.memory_space<vmem_shared>> -> memref<640x128xf32, #tpu.memory_space<vmem_shared>>
      %dma_wait3A_19 = arith.constant 0 : i32
      %dma_wait3A_20 = arith.constant 0 : i32
      %dma_wait3A_21 = tpu.memref_slice %arg2[%run_scoped3A, %dma_wait3A_19, %dma_wait3A_20] : memref<1x10240x128xf32, #tpu.memory_space<hbm>> -> memref<1x10240x128xf32, #tpu.memory_space<hbm>>
      %dma_wait3A_22 = tpu.memref_squeeze %dma_wait3A_21 : memref<1x10240x128xf32, #tpu.memory_space<hbm>> -> memref<10240x128xf32, #tpu.memory_space<hbm>>
      %dma_wait3A_23 = arith.constant 0 : i32
      %dma_wait3A_24 = tpu.memref_slice %dma_wait3A_22[%mul3A_2, %dma_wait3A_23] : memref<10240x128xf32, #tpu.memory_space<hbm>> -> memref<640x128xf32, #tpu.memory_space<hbm>>
      tpu.wait_dma2 semaphore(%run_scoped3A_10 : memref<!tpu.dma_semaphore, #tpu.memory_space<semaphore_mem>>) src(%dma_wait3A_24 : memref<640x128xf32, #tpu.memory_space<hbm>>) dst(%dma_wait3A_18 : memref<640x128xf32, #tpu.memory_space<vmem_shared>>)
      tpu.yield
    }) : () -> ()
    %barrier3A = arith.constant 0 : index
    tpu.barrier barrier_id(%barrier3A)
    %scan3A = arith.constant 0 : i32
    %scan3A_3 = arith.constant 0 : i32
    %scan3A_4 = arith.constant 0 : i32
    %scan3A_5 = arith.constant 40 : i32
    %scan3A_6 = arith.addi %scan3A_4, %scan3A_5 : i32
    %scan3A_7 = arith.constant 1 : i32
    scf.for %scan3A_10 = %scan3A_4 to %scan3A_6 step %scan3A_7  : i32 {
      %dma_start3A = arith.constant 0 : i32
      %dma_start3A_11 = tpu.memref_slice %arg6[%scan3A_10, %dma_start3A] : memref<40x128xi32, #tpu.memory_space<vmem>> -> memref<1x128xi32, #tpu.memory_space<vmem>>
      %dma_start3A_12 = tpu.memref_squeeze %dma_start3A_11 : memref<1x128xi32, #tpu.memory_space<vmem>> -> memref<128xi32, #tpu.memory_space<vmem>>
      %dma_start3A_13 = arith.constant 0 : i32
      %dma_start3A_14 = arith.constant 0 : i32
      %dma_start3A_15 = tpu.memref_slice %arg2[%scan3A_3, %dma_start3A_13, %dma_start3A_14] : memref<1x10240x128xf32, #tpu.memory_space<hbm>> -> memref<1x10240x128xf32, #tpu.memory_space<hbm>>
      %dma_start3A_16 = tpu.memref_squeeze %dma_start3A_15 : memref<1x10240x128xf32, #tpu.memory_space<hbm>> -> memref<10240x128xf32, #tpu.memory_space<hbm>>
      %dma_start3A_17 = arith.constant 0 : i32
      %dma_start3A_18 = arith.constant 0 : i32
      %dma_start3A_19 = tpu.memref_slice %dma_start3A_16[%dma_start3A_17, %dma_start3A_18] : memref<10240x128xf32, #tpu.memory_space<hbm>> -> memref<10240x128xf32, #tpu.memory_space<hbm>>
      tpu.enqueue_indirect_dma source(%dma_start3A_19 : memref<10240x128xf32, #tpu.memory_space<hbm>>) target(%arg8 : memref<128x128xf32, #tpu.memory_space<vmem>>) offsets(%dma_start3A_12 : memref<128xi32, #tpu.memory_space<vmem>>) semaphore(%arg10 : memref<!tpu.dma_semaphore, #tpu.memory_space<semaphore_mem>>)
      %dma_wait3A = arith.constant 0 : i32
      %dma_wait3A_20 = tpu.memref_slice %arg6[%scan3A_10, %dma_wait3A] : memref<40x128xi32, #tpu.memory_space<vmem>> -> memref<1x128xi32, #tpu.memory_space<vmem>>
      %dma_wait3A_21 = tpu.memref_squeeze %dma_wait3A_20 : memref<1x128xi32, #tpu.memory_space<vmem>> -> memref<128xi32, #tpu.memory_space<vmem>>
      %dma_wait3A_22 = arith.constant 0 : i32
      %dma_wait3A_23 = arith.constant 0 : i32
      %dma_wait3A_24 = tpu.memref_slice %arg2[%scan3A_3, %dma_wait3A_22, %dma_wait3A_23] : memref<1x10240x128xf32, #tpu.memory_space<hbm>> -> memref<1x10240x128xf32, #tpu.memory_space<hbm>>
      %dma_wait3A_25 = tpu.memref_squeeze %dma_wait3A_24 : memref<1x10240x128xf32, #tpu.memory_space<hbm>> -> memref<10240x128xf32, #tpu.memory_space<hbm>>
      %dma_wait3A_26 = arith.constant 0 : i32
      %dma_wait3A_27 = arith.constant 0 : i32
      %dma_wait3A_28 = tpu.memref_slice %dma_wait3A_25[%dma_wait3A_26, %dma_wait3A_27] : memref<10240x128xf32, #tpu.memory_space<hbm>> -> memref<10240x128xf32, #tpu.memory_space<hbm>>
      tpu.wait_indirect_dma semaphore(%arg10 : memref<!tpu.dma_semaphore, #tpu.memory_space<semaphore_mem>>) src(%dma_wait3A_28 : memref<10240x128xf32, #tpu.memory_space<hbm>>) dst(%arg8 : memref<128x128xf32, #tpu.memory_space<vmem>>)
      %dma_start3A_29 = arith.constant 0 : i32
      %dma_start3A_30 = tpu.memref_slice %arg7[%scan3A_10, %dma_start3A_29] : memref<40x128xi32, #tpu.memory_space<vmem>> -> memref<1x128xi32, #tpu.memory_space<vmem>>
      %dma_start3A_31 = tpu.memref_squeeze %dma_start3A_30 : memref<1x128xi32, #tpu.memory_space<vmem>> -> memref<128xi32, #tpu.memory_space<vmem>>
      %dma_start3A_32 = arith.constant 0 : i32
      %dma_start3A_33 = arith.constant 0 : i32
      %dma_start3A_34 = tpu.memref_slice %arg9[%dma_start3A_32, %dma_start3A_33] : memref<10240x128xf32, #tpu.memory_space<vmem_shared>> -> memref<10240x128xf32, #tpu.memory_space<vmem_shared>>
      tpu.enqueue_indirect_dma source(%arg8 : memref<128x128xf32, #tpu.memory_space<vmem>>) target(%dma_start3A_34 : memref<10240x128xf32, #tpu.memory_space<vmem_shared>>) offsets(%dma_start3A_31 : memref<128xi32, #tpu.memory_space<vmem>>) semaphore(%arg11 : memref<!tpu.dma_semaphore, #tpu.memory_space<semaphore_mem>>) {add = true}
      %dma_wait3A_35 = arith.constant 0 : i32
      %dma_wait3A_36 = tpu.memref_slice %arg7[%scan3A_10, %dma_wait3A_35] : memref<40x128xi32, #tpu.memory_space<vmem>> -> memref<1x128xi32, #tpu.memory_space<vmem>>
      %dma_wait3A_37 = tpu.memref_squeeze %dma_wait3A_36 : memref<1x128xi32, #tpu.memory_space<vmem>> -> memref<128xi32, #tpu.memory_space<vmem>>
      %dma_wait3A_38 = arith.constant 0 : i32
      %dma_wait3A_39 = arith.constant 0 : i32
      %dma_wait3A_40 = tpu.memref_slice %arg9[%dma_wait3A_38, %dma_wait3A_39] : memref<10240x128xf32, #tpu.memory_space<vmem_shared>> -> memref<10240x128xf32, #tpu.memory_space<vmem_shared>>
      tpu.wait_indirect_dma semaphore(%arg11 : memref<!tpu.dma_semaphore, #tpu.memory_space<semaphore_mem>>) src(%arg8 : memref<128x128xf32, #tpu.memory_space<vmem>>) dst(%dma_wait3A_40 : memref<10240x128xf32, #tpu.memory_space<vmem_shared>>)
    }
    %scan3A_8 = arith.constant 40 : i32
    %barrier3A_9 = arith.constant 0 : index
    tpu.barrier barrier_id(%barrier3A_9)
    "tpu.region"() ({
      %run_scoped3A_10 = tpu.sem_alloc : memref<!tpu.dma_semaphore, #tpu.memory_space<semaphore_mem>>
      %dma_start3A = arith.constant 0 : i32
      %dma_start3A_11 = arith.constant 0 : i32
      %dma_start3A_12 = tpu.memref_slice %arg5[%arg0, %dma_start3A, %dma_start3A_11] : memref<2x10240x128xf32, #tpu.memory_space<hbm>> -> memref<1x10240x128xf32, #tpu.memory_space<hbm>>
      %dma_start3A_13 = tpu.memref_squeeze %dma_start3A_12 : memref<1x10240x128xf32, #tpu.memory_space<hbm>> -> memref<10240x128xf32, #tpu.memory_space<hbm>>
      %dma_start3A_14 = arith.constant 0 : i32
      %dma_start3A_15 = tpu.memref_slice %dma_start3A_13[%mul3A_2, %dma_start3A_14] : memref<10240x128xf32, #tpu.memory_space<hbm>> -> memref<640x128xf32, #tpu.memory_space<hbm>>
      %dma_start3A_16 = arith.constant 0 : i32
      %dma_start3A_17 = tpu.memref_slice %arg9[%mul3A_2, %dma_start3A_16] : memref<10240x128xf32, #tpu.memory_space<vmem_shared>> -> memref<640x128xf32, #tpu.memory_space<vmem_shared>>
      tpu.enqueue_dma source(%dma_start3A_17 : memref<640x128xf32, #tpu.memory_space<vmem_shared>>) target(%dma_start3A_15 : memref<640x128xf32, #tpu.memory_space<hbm>>) target_semaphore(%run_scoped3A_10 : memref<!tpu.dma_semaphore, #tpu.memory_space<semaphore_mem>>)
      %dma_wait3A = arith.constant 0 : i32
      %dma_wait3A_18 = arith.constant 0 : i32
      %dma_wait3A_19 = tpu.memref_slice %arg5[%arg0, %dma_wait3A, %dma_wait3A_18] : memref<2x10240x128xf32, #tpu.memory_space<hbm>> -> memref<1x10240x128xf32, #tpu.memory_space<hbm>>
      %dma_wait3A_20 = tpu.memref_squeeze %dma_wait3A_19 : memref<1x10240x128xf32, #tpu.memory_space<hbm>> -> memref<10240x128xf32, #tpu.memory_space<hbm>>
      %dma_wait3A_21 = arith.constant 0 : i32
      %dma_wait3A_22 = tpu.memref_slice %dma_wait3A_20[%mul3A_2, %dma_wait3A_21] : memref<10240x128xf32, #tpu.memory_space<hbm>> -> memref<640x128xf32, #tpu.memory_space<hbm>>
      %dma_wait3A_23 = arith.constant 0 : i32
      %dma_wait3A_24 = tpu.memref_slice %arg9[%mul3A_2, %dma_wait3A_23] : memref<10240x128xf32, #tpu.memory_space<vmem_shared>> -> memref<640x128xf32, #tpu.memory_space<vmem_shared>>
      tpu.wait_dma2 semaphore(%run_scoped3A_10 : memref<!tpu.dma_semaphore, #tpu.memory_space<semaphore_mem>>) src(%dma_wait3A_24 : memref<640x128xf32, #tpu.memory_space<vmem_shared>>) dst(%dma_wait3A_22 : memref<640x128xf32, #tpu.memory_space<hbm>>)
      tpu.yield
    }) : () -> ()
    return
  }
}

#map = affine_map<(d0, d1) -> (0, 0, 0)>
module attributes {stable_mosaic.version = 14 : i64} {
  func.func @agg(%arg0: i32, %arg1: i32, %arg2: memref<2x10240x128xf32, #tpu.memory_space<hbm>>, %arg3: memref<16x79x128xi32, #tpu.memory_space<hbm>>, %arg4: memref<16x79x128xi32, #tpu.memory_space<hbm>>, %arg5: memref<2x10240x128xf32, #tpu.memory_space<hbm>>, %arg6: memref<79x128xi32, #tpu.memory_space<vmem>>, %arg7: memref<79x128xi32, #tpu.memory_space<vmem>>, %arg8: memref<128x128xf32, #tpu.memory_space<vmem>>, %arg9: memref<10240x128xf32, #tpu.memory_space<vmem_shared>>, %arg10: memref<!tpu.dma_semaphore, #tpu.memory_space<semaphore_mem>>, %arg11: memref<!tpu.dma_semaphore, #tpu.memory_space<semaphore_mem>>) attributes {dimension_semantics = [#tpu.dimension_semantics<core_parallel>, #tpu.dimension_semantics<subcore_parallel>], iteration_bounds = array<i64: 2, 16>, scalar_prefetch = 0 : i64, scratch_operands = 6 : i64, tpu.core_type = #tpu.core_type<sc_vector_subcore>, window_params = [{transform_indices = #map}, {transform_indices = #map}, {transform_indices = #map}, {transform_indices = #map}]} {
    "tpu.region"() ({
      %run_scoped3A = tpu.sem_alloc : memref<!tpu.dma_semaphore, #tpu.memory_space<semaphore_mem>>
      %dma_start3A = arith.constant 0 : i32
      %dma_start3A_11 = arith.constant 0 : i32
      %dma_start3A_12 = tpu.memref_slice %arg3[%arg1, %dma_start3A, %dma_start3A_11] : memref<16x79x128xi32, #tpu.memory_space<hbm>> -> memref<1x79x128xi32, #tpu.memory_space<hbm>>
      %dma_start3A_13 = tpu.memref_squeeze %dma_start3A_12 : memref<1x79x128xi32, #tpu.memory_space<hbm>> -> memref<79x128xi32, #tpu.memory_space<hbm>>
      %dma_start3A_14 = arith.constant 0 : i32
      %dma_start3A_15 = arith.constant 0 : i32
      %dma_start3A_16 = tpu.memref_slice %arg3[%arg1, %dma_start3A_14, %dma_start3A_15] : memref<16x79x128xi32, #tpu.memory_space<hbm>> -> memref<1x79x128xi32, #tpu.memory_space<hbm>>
      %dma_start3A_17 = tpu.memref_squeeze %dma_start3A_16 : memref<1x79x128xi32, #tpu.memory_space<hbm>> -> memref<79x128xi32, #tpu.memory_space<hbm>>
      tpu.enqueue_dma source(%dma_start3A_17 : memref<79x128xi32, #tpu.memory_space<hbm>>) target(%arg6 : memref<79x128xi32, #tpu.memory_space<vmem>>) target_semaphore(%run_scoped3A : memref<!tpu.dma_semaphore, #tpu.memory_space<semaphore_mem>>)
      %dma_wait3A = arith.constant 0 : i32
      %dma_wait3A_18 = arith.constant 0 : i32
      %dma_wait3A_19 = tpu.memref_slice %arg3[%arg1, %dma_wait3A, %dma_wait3A_18] : memref<16x79x128xi32, #tpu.memory_space<hbm>> -> memref<1x79x128xi32, #tpu.memory_space<hbm>>
      %dma_wait3A_20 = tpu.memref_squeeze %dma_wait3A_19 : memref<1x79x128xi32, #tpu.memory_space<hbm>> -> memref<79x128xi32, #tpu.memory_space<hbm>>
      %dma_wait3A_21 = arith.constant 0 : i32
      %dma_wait3A_22 = arith.constant 0 : i32
      %dma_wait3A_23 = tpu.memref_slice %arg3[%arg1, %dma_wait3A_21, %dma_wait3A_22] : memref<16x79x128xi32, #tpu.memory_space<hbm>> -> memref<1x79x128xi32, #tpu.memory_space<hbm>>
      %dma_wait3A_24 = tpu.memref_squeeze %dma_wait3A_23 : memref<1x79x128xi32, #tpu.memory_space<hbm>> -> memref<79x128xi32, #tpu.memory_space<hbm>>
      tpu.wait_dma2 semaphore(%run_scoped3A : memref<!tpu.dma_semaphore, #tpu.memory_space<semaphore_mem>>) src(%dma_wait3A_24 : memref<79x128xi32, #tpu.memory_space<hbm>>) dst(%arg6 : memref<79x128xi32, #tpu.memory_space<vmem>>)
      tpu.yield
    }) : () -> ()
    "tpu.region"() ({
      %run_scoped3A = tpu.sem_alloc : memref<!tpu.dma_semaphore, #tpu.memory_space<semaphore_mem>>
      %dma_start3A = arith.constant 0 : i32
      %dma_start3A_11 = arith.constant 0 : i32
      %dma_start3A_12 = tpu.memref_slice %arg4[%arg1, %dma_start3A, %dma_start3A_11] : memref<16x79x128xi32, #tpu.memory_space<hbm>> -> memref<1x79x128xi32, #tpu.memory_space<hbm>>
      %dma_start3A_13 = tpu.memref_squeeze %dma_start3A_12 : memref<1x79x128xi32, #tpu.memory_space<hbm>> -> memref<79x128xi32, #tpu.memory_space<hbm>>
      %dma_start3A_14 = arith.constant 0 : i32
      %dma_start3A_15 = arith.constant 0 : i32
      %dma_start3A_16 = tpu.memref_slice %arg4[%arg1, %dma_start3A_14, %dma_start3A_15] : memref<16x79x128xi32, #tpu.memory_space<hbm>> -> memref<1x79x128xi32, #tpu.memory_space<hbm>>
      %dma_start3A_17 = tpu.memref_squeeze %dma_start3A_16 : memref<1x79x128xi32, #tpu.memory_space<hbm>> -> memref<79x128xi32, #tpu.memory_space<hbm>>
      tpu.enqueue_dma source(%dma_start3A_17 : memref<79x128xi32, #tpu.memory_space<hbm>>) target(%arg7 : memref<79x128xi32, #tpu.memory_space<vmem>>) target_semaphore(%run_scoped3A : memref<!tpu.dma_semaphore, #tpu.memory_space<semaphore_mem>>)
      %dma_wait3A = arith.constant 0 : i32
      %dma_wait3A_18 = arith.constant 0 : i32
      %dma_wait3A_19 = tpu.memref_slice %arg4[%arg1, %dma_wait3A, %dma_wait3A_18] : memref<16x79x128xi32, #tpu.memory_space<hbm>> -> memref<1x79x128xi32, #tpu.memory_space<hbm>>
      %dma_wait3A_20 = tpu.memref_squeeze %dma_wait3A_19 : memref<1x79x128xi32, #tpu.memory_space<hbm>> -> memref<79x128xi32, #tpu.memory_space<hbm>>
      %dma_wait3A_21 = arith.constant 0 : i32
      %dma_wait3A_22 = arith.constant 0 : i32
      %dma_wait3A_23 = tpu.memref_slice %arg4[%arg1, %dma_wait3A_21, %dma_wait3A_22] : memref<16x79x128xi32, #tpu.memory_space<hbm>> -> memref<1x79x128xi32, #tpu.memory_space<hbm>>
      %dma_wait3A_24 = tpu.memref_squeeze %dma_wait3A_23 : memref<1x79x128xi32, #tpu.memory_space<hbm>> -> memref<79x128xi32, #tpu.memory_space<hbm>>
      tpu.wait_dma2 semaphore(%run_scoped3A : memref<!tpu.dma_semaphore, #tpu.memory_space<semaphore_mem>>) src(%dma_wait3A_24 : memref<79x128xi32, #tpu.memory_space<hbm>>) dst(%arg7 : memref<79x128xi32, #tpu.memory_space<vmem>>)
      tpu.yield
    }) : () -> ()
    %mul3A = arith.constant 640 : i32
    %mul3A_0 = arith.muli %arg1, %mul3A : i32
    %mul3A_1 = arith.constant 1 : i32
    %mul3A_2 = arith.muli %arg0, %mul3A_1 : i32
    %add3A = arith.constant 0 : i32
    %add3A_3 = arith.addi %mul3A_2, %add3A : i32
    "tpu.region"() ({
      %run_scoped3A = tpu.sem_alloc : memref<!tpu.dma_semaphore, #tpu.memory_space<semaphore_mem>>
      %dma_start3A = arith.constant 0 : i32
      %dma_start3A_11 = tpu.memref_slice %arg9[%mul3A_0, %dma_start3A] : memref<10240x128xf32, #tpu.memory_space<vmem_shared>> -> memref<640x128xf32, #tpu.memory_space<vmem_shared>>
      %dma_start3A_12 = arith.constant 0 : i32
      %dma_start3A_13 = arith.constant 0 : i32
      %dma_start3A_14 = tpu.memref_slice %arg2[%add3A_3, %dma_start3A_12, %dma_start3A_13] : memref<2x10240x128xf32, #tpu.memory_space<hbm>> -> memref<1x10240x128xf32, #tpu.memory_space<hbm>>
      %dma_start3A_15 = tpu.memref_squeeze %dma_start3A_14 : memref<1x10240x128xf32, #tpu.memory_space<hbm>> -> memref<10240x128xf32, #tpu.memory_space<hbm>>
      %dma_start3A_16 = arith.constant 0 : i32
      %dma_start3A_17 = tpu.memref_slice %dma_start3A_15[%mul3A_0, %dma_start3A_16] : memref<10240x128xf32, #tpu.memory_space<hbm>> -> memref<640x128xf32, #tpu.memory_space<hbm>>
      tpu.enqueue_dma source(%dma_start3A_17 : memref<640x128xf32, #tpu.memory_space<hbm>>) target(%dma_start3A_11 : memref<640x128xf32, #tpu.memory_space<vmem_shared>>) target_semaphore(%run_scoped3A : memref<!tpu.dma_semaphore, #tpu.memory_space<semaphore_mem>>)
      %dma_wait3A = arith.constant 0 : i32
      %dma_wait3A_18 = tpu.memref_slice %arg9[%mul3A_0, %dma_wait3A] : memref<10240x128xf32, #tpu.memory_space<vmem_shared>> -> memref<640x128xf32, #tpu.memory_space<vmem_shared>>
      %dma_wait3A_19 = arith.constant 0 : i32
      %dma_wait3A_20 = arith.constant 0 : i32
      %dma_wait3A_21 = tpu.memref_slice %arg2[%add3A_3, %dma_wait3A_19, %dma_wait3A_20] : memref<2x10240x128xf32, #tpu.memory_space<hbm>> -> memref<1x10240x128xf32, #tpu.memory_space<hbm>>
      %dma_wait3A_22 = tpu.memref_squeeze %dma_wait3A_21 : memref<1x10240x128xf32, #tpu.memory_space<hbm>> -> memref<10240x128xf32, #tpu.memory_space<hbm>>
      %dma_wait3A_23 = arith.constant 0 : i32
      %dma_wait3A_24 = tpu.memref_slice %dma_wait3A_22[%mul3A_0, %dma_wait3A_23] : memref<10240x128xf32, #tpu.memory_space<hbm>> -> memref<640x128xf32, #tpu.memory_space<hbm>>
      tpu.wait_dma2 semaphore(%run_scoped3A : memref<!tpu.dma_semaphore, #tpu.memory_space<semaphore_mem>>) src(%dma_wait3A_24 : memref<640x128xf32, #tpu.memory_space<hbm>>) dst(%dma_wait3A_18 : memref<640x128xf32, #tpu.memory_space<vmem_shared>>)
      tpu.yield
    }) : () -> ()
    %barrier3A = arith.constant 0 : index
    tpu.barrier barrier_id(%barrier3A)
    %scan3A = arith.constant 0 : i32
    %scan3A_4 = arith.constant 0 : i32
    %scan3A_5 = arith.constant 79 : i32
    %scan3A_6 = arith.addi %scan3A_4, %scan3A_5 : i32
    %scan3A_7 = arith.constant 1 : i32
    scf.for %scan3A_11 = %scan3A_4 to %scan3A_6 step %scan3A_7  : i32 {
      %dma_start3A = arith.constant 0 : i32
      %dma_start3A_12 = tpu.memref_slice %arg6[%scan3A_11, %dma_start3A] : memref<79x128xi32, #tpu.memory_space<vmem>> -> memref<1x128xi32, #tpu.memory_space<vmem>>
      %dma_start3A_13 = tpu.memref_squeeze %dma_start3A_12 : memref<1x128xi32, #tpu.memory_space<vmem>> -> memref<128xi32, #tpu.memory_space<vmem>>
      %dma_start3A_14 = arith.constant 0 : i32
      %dma_start3A_15 = arith.constant 0 : i32
      %dma_start3A_16 = tpu.memref_slice %arg2[%add3A_3, %dma_start3A_14, %dma_start3A_15] : memref<2x10240x128xf32, #tpu.memory_space<hbm>> -> memref<1x10240x128xf32, #tpu.memory_space<hbm>>
      %dma_start3A_17 = tpu.memref_squeeze %dma_start3A_16 : memref<1x10240x128xf32, #tpu.memory_space<hbm>> -> memref<10240x128xf32, #tpu.memory_space<hbm>>
      %dma_start3A_18 = arith.constant 0 : i32
      %dma_start3A_19 = arith.constant 0 : i32
      %dma_start3A_20 = tpu.memref_slice %dma_start3A_17[%dma_start3A_18, %dma_start3A_19] : memref<10240x128xf32, #tpu.memory_space<hbm>> -> memref<10240x128xf32, #tpu.memory_space<hbm>>
      tpu.enqueue_indirect_dma source(%dma_start3A_20 : memref<10240x128xf32, #tpu.memory_space<hbm>>) target(%arg8 : memref<128x128xf32, #tpu.memory_space<vmem>>) offsets(%dma_start3A_13 : memref<128xi32, #tpu.memory_space<vmem>>) semaphore(%arg10 : memref<!tpu.dma_semaphore, #tpu.memory_space<semaphore_mem>>)
      %dma_wait3A = arith.constant 0 : i32
      %dma_wait3A_21 = tpu.memref_slice %arg6[%scan3A_11, %dma_wait3A] : memref<79x128xi32, #tpu.memory_space<vmem>> -> memref<1x128xi32, #tpu.memory_space<vmem>>
      %dma_wait3A_22 = tpu.memref_squeeze %dma_wait3A_21 : memref<1x128xi32, #tpu.memory_space<vmem>> -> memref<128xi32, #tpu.memory_space<vmem>>
      %dma_wait3A_23 = arith.constant 0 : i32
      %dma_wait3A_24 = arith.constant 0 : i32
      %dma_wait3A_25 = tpu.memref_slice %arg2[%add3A_3, %dma_wait3A_23, %dma_wait3A_24] : memref<2x10240x128xf32, #tpu.memory_space<hbm>> -> memref<1x10240x128xf32, #tpu.memory_space<hbm>>
      %dma_wait3A_26 = tpu.memref_squeeze %dma_wait3A_25 : memref<1x10240x128xf32, #tpu.memory_space<hbm>> -> memref<10240x128xf32, #tpu.memory_space<hbm>>
      %dma_wait3A_27 = arith.constant 0 : i32
      %dma_wait3A_28 = arith.constant 0 : i32
      %dma_wait3A_29 = tpu.memref_slice %dma_wait3A_26[%dma_wait3A_27, %dma_wait3A_28] : memref<10240x128xf32, #tpu.memory_space<hbm>> -> memref<10240x128xf32, #tpu.memory_space<hbm>>
      tpu.wait_indirect_dma semaphore(%arg10 : memref<!tpu.dma_semaphore, #tpu.memory_space<semaphore_mem>>) src(%dma_wait3A_29 : memref<10240x128xf32, #tpu.memory_space<hbm>>) dst(%arg8 : memref<128x128xf32, #tpu.memory_space<vmem>>)
      %dma_start3A_30 = arith.constant 0 : i32
      %dma_start3A_31 = tpu.memref_slice %arg7[%scan3A_11, %dma_start3A_30] : memref<79x128xi32, #tpu.memory_space<vmem>> -> memref<1x128xi32, #tpu.memory_space<vmem>>
      %dma_start3A_32 = tpu.memref_squeeze %dma_start3A_31 : memref<1x128xi32, #tpu.memory_space<vmem>> -> memref<128xi32, #tpu.memory_space<vmem>>
      %dma_start3A_33 = arith.constant 0 : i32
      %dma_start3A_34 = arith.constant 0 : i32
      %dma_start3A_35 = tpu.memref_slice %arg9[%dma_start3A_33, %dma_start3A_34] : memref<10240x128xf32, #tpu.memory_space<vmem_shared>> -> memref<10240x128xf32, #tpu.memory_space<vmem_shared>>
      tpu.enqueue_indirect_dma source(%arg8 : memref<128x128xf32, #tpu.memory_space<vmem>>) target(%dma_start3A_35 : memref<10240x128xf32, #tpu.memory_space<vmem_shared>>) offsets(%dma_start3A_32 : memref<128xi32, #tpu.memory_space<vmem>>) semaphore(%arg11 : memref<!tpu.dma_semaphore, #tpu.memory_space<semaphore_mem>>) {add = true}
      %dma_wait3A_36 = arith.constant 0 : i32
      %dma_wait3A_37 = tpu.memref_slice %arg7[%scan3A_11, %dma_wait3A_36] : memref<79x128xi32, #tpu.memory_space<vmem>> -> memref<1x128xi32, #tpu.memory_space<vmem>>
      %dma_wait3A_38 = tpu.memref_squeeze %dma_wait3A_37 : memref<1x128xi32, #tpu.memory_space<vmem>> -> memref<128xi32, #tpu.memory_space<vmem>>
      %dma_wait3A_39 = arith.constant 0 : i32
      %dma_wait3A_40 = arith.constant 0 : i32
      %dma_wait3A_41 = tpu.memref_slice %arg9[%dma_wait3A_39, %dma_wait3A_40] : memref<10240x128xf32, #tpu.memory_space<vmem_shared>> -> memref<10240x128xf32, #tpu.memory_space<vmem_shared>>
      tpu.wait_indirect_dma semaphore(%arg11 : memref<!tpu.dma_semaphore, #tpu.memory_space<semaphore_mem>>) src(%arg8 : memref<128x128xf32, #tpu.memory_space<vmem>>) dst(%dma_wait3A_41 : memref<10240x128xf32, #tpu.memory_space<vmem_shared>>)
    }
    %scan3A_8 = arith.constant 79 : i32
    %barrier3A_9 = arith.constant 0 : index
    tpu.barrier barrier_id(%barrier3A_9)
    "tpu.region"() ({
      %run_scoped3A = tpu.sem_alloc : memref<!tpu.dma_semaphore, #tpu.memory_space<semaphore_mem>>
      %dma_start3A = arith.constant 0 : i32
      %dma_start3A_11 = arith.constant 0 : i32
      %dma_start3A_12 = tpu.memref_slice %arg5[%add3A_3, %dma_start3A, %dma_start3A_11] : memref<2x10240x128xf32, #tpu.memory_space<hbm>> -> memref<1x10240x128xf32, #tpu.memory_space<hbm>>
      %dma_start3A_13 = tpu.memref_squeeze %dma_start3A_12 : memref<1x10240x128xf32, #tpu.memory_space<hbm>> -> memref<10240x128xf32, #tpu.memory_space<hbm>>
      %dma_start3A_14 = arith.constant 0 : i32
      %dma_start3A_15 = tpu.memref_slice %dma_start3A_13[%mul3A_0, %dma_start3A_14] : memref<10240x128xf32, #tpu.memory_space<hbm>> -> memref<640x128xf32, #tpu.memory_space<hbm>>
      %dma_start3A_16 = arith.constant 0 : i32
      %dma_start3A_17 = tpu.memref_slice %arg9[%mul3A_0, %dma_start3A_16] : memref<10240x128xf32, #tpu.memory_space<vmem_shared>> -> memref<640x128xf32, #tpu.memory_space<vmem_shared>>
      tpu.enqueue_dma source(%dma_start3A_17 : memref<640x128xf32, #tpu.memory_space<vmem_shared>>) target(%dma_start3A_15 : memref<640x128xf32, #tpu.memory_space<hbm>>) target_semaphore(%run_scoped3A : memref<!tpu.dma_semaphore, #tpu.memory_space<semaphore_mem>>)
      %dma_wait3A = arith.constant 0 : i32
      %dma_wait3A_18 = arith.constant 0 : i32
      %dma_wait3A_19 = tpu.memref_slice %arg5[%add3A_3, %dma_wait3A, %dma_wait3A_18] : memref<2x10240x128xf32, #tpu.memory_space<hbm>> -> memref<1x10240x128xf32, #tpu.memory_space<hbm>>
      %dma_wait3A_20 = tpu.memref_squeeze %dma_wait3A_19 : memref<1x10240x128xf32, #tpu.memory_space<hbm>> -> memref<10240x128xf32, #tpu.memory_space<hbm>>
      %dma_wait3A_21 = arith.constant 0 : i32
      %dma_wait3A_22 = tpu.memref_slice %dma_wait3A_20[%mul3A_0, %dma_wait3A_21] : memref<10240x128xf32, #tpu.memory_space<hbm>> -> memref<640x128xf32, #tpu.memory_space<hbm>>
      %dma_wait3A_23 = arith.constant 0 : i32
      %dma_wait3A_24 = tpu.memref_slice %arg9[%mul3A_0, %dma_wait3A_23] : memref<10240x128xf32, #tpu.memory_space<vmem_shared>> -> memref<640x128xf32, #tpu.memory_space<vmem_shared>>
      tpu.wait_dma2 semaphore(%run_scoped3A : memref<!tpu.dma_semaphore, #tpu.memory_space<semaphore_mem>>) src(%dma_wait3A_24 : memref<640x128xf32, #tpu.memory_space<vmem_shared>>) dst(%dma_wait3A_22 : memref<640x128xf32, #tpu.memory_space<hbm>>)
      tpu.yield
    }) : () -> ()
    %barrier3A_10 = arith.constant 0 : index
    tpu.barrier barrier_id(%barrier3A_10)
    return
  }
}

#map = affine_map<(d0, d1) -> (0, 0, 0)>
module attributes {stable_mosaic.version = 14 : i64} {
  func.func @agg(%arg0: i32, %arg1: i32, %arg2: memref<4x10240x128xf32, #tpu.memory_space<hbm>>, %arg3: memref<16x79x128xi32, #tpu.memory_space<hbm>>, %arg4: memref<16x79x128xi32, #tpu.memory_space<hbm>>, %arg5: memref<4x10240x128xf32, #tpu.memory_space<hbm>>, %arg6: memref<79x128xi32, #tpu.memory_space<vmem>>, %arg7: memref<79x128xi32, #tpu.memory_space<vmem>>, %arg8: memref<128x128xf32, #tpu.memory_space<vmem>>, %arg9: memref<10240x128xf32, #tpu.memory_space<vmem_shared>>, %arg10: memref<!tpu.dma_semaphore, #tpu.memory_space<semaphore_mem>>, %arg11: memref<!tpu.dma_semaphore, #tpu.memory_space<semaphore_mem>>) attributes {dimension_semantics = [#tpu.dimension_semantics<core_parallel>, #tpu.dimension_semantics<subcore_parallel>], iteration_bounds = array<i64: 2, 16>, scalar_prefetch = 0 : i64, scratch_operands = 6 : i64, tpu.core_type = #tpu.core_type<sc_vector_subcore>, window_params = [{transform_indices = #map}, {transform_indices = #map}, {transform_indices = #map}, {transform_indices = #map}]} {
    "tpu.region"() ({
      %run_scoped3A = tpu.sem_alloc : memref<!tpu.dma_semaphore, #tpu.memory_space<semaphore_mem>>
      %dma_start3A = arith.constant 0 : i32
      %dma_start3A_24 = arith.constant 0 : i32
      %dma_start3A_25 = tpu.memref_slice %arg3[%arg1, %dma_start3A, %dma_start3A_24] : memref<16x79x128xi32, #tpu.memory_space<hbm>> -> memref<1x79x128xi32, #tpu.memory_space<hbm>>
      %dma_start3A_26 = tpu.memref_squeeze %dma_start3A_25 : memref<1x79x128xi32, #tpu.memory_space<hbm>> -> memref<79x128xi32, #tpu.memory_space<hbm>>
      %dma_start3A_27 = arith.constant 0 : i32
      %dma_start3A_28 = arith.constant 0 : i32
      %dma_start3A_29 = tpu.memref_slice %arg3[%arg1, %dma_start3A_27, %dma_start3A_28] : memref<16x79x128xi32, #tpu.memory_space<hbm>> -> memref<1x79x128xi32, #tpu.memory_space<hbm>>
      %dma_start3A_30 = tpu.memref_squeeze %dma_start3A_29 : memref<1x79x128xi32, #tpu.memory_space<hbm>> -> memref<79x128xi32, #tpu.memory_space<hbm>>
      tpu.enqueue_dma source(%dma_start3A_30 : memref<79x128xi32, #tpu.memory_space<hbm>>) target(%arg6 : memref<79x128xi32, #tpu.memory_space<vmem>>) target_semaphore(%run_scoped3A : memref<!tpu.dma_semaphore, #tpu.memory_space<semaphore_mem>>)
      %dma_wait3A = arith.constant 0 : i32
      %dma_wait3A_31 = arith.constant 0 : i32
      %dma_wait3A_32 = tpu.memref_slice %arg3[%arg1, %dma_wait3A, %dma_wait3A_31] : memref<16x79x128xi32, #tpu.memory_space<hbm>> -> memref<1x79x128xi32, #tpu.memory_space<hbm>>
      %dma_wait3A_33 = tpu.memref_squeeze %dma_wait3A_32 : memref<1x79x128xi32, #tpu.memory_space<hbm>> -> memref<79x128xi32, #tpu.memory_space<hbm>>
      %dma_wait3A_34 = arith.constant 0 : i32
      %dma_wait3A_35 = arith.constant 0 : i32
      %dma_wait3A_36 = tpu.memref_slice %arg3[%arg1, %dma_wait3A_34, %dma_wait3A_35] : memref<16x79x128xi32, #tpu.memory_space<hbm>> -> memref<1x79x128xi32, #tpu.memory_space<hbm>>
      %dma_wait3A_37 = tpu.memref_squeeze %dma_wait3A_36 : memref<1x79x128xi32, #tpu.memory_space<hbm>> -> memref<79x128xi32, #tpu.memory_space<hbm>>
      tpu.wait_dma2 semaphore(%run_scoped3A : memref<!tpu.dma_semaphore, #tpu.memory_space<semaphore_mem>>) src(%dma_wait3A_37 : memref<79x128xi32, #tpu.memory_space<hbm>>) dst(%arg6 : memref<79x128xi32, #tpu.memory_space<vmem>>)
      tpu.yield
    }) : () -> ()
    "tpu.region"() ({
      %run_scoped3A = tpu.sem_alloc : memref<!tpu.dma_semaphore, #tpu.memory_space<semaphore_mem>>
      %dma_start3A = arith.constant 0 : i32
      %dma_start3A_24 = arith.constant 0 : i32
      %dma_start3A_25 = tpu.memref_slice %arg4[%arg1, %dma_start3A, %dma_start3A_24] : memref<16x79x128xi32, #tpu.memory_space<hbm>> -> memref<1x79x128xi32, #tpu.memory_space<hbm>>
      %dma_start3A_26 = tpu.memref_squeeze %dma_start3A_25 : memref<1x79x128xi32, #tpu.memory_space<hbm>> -> memref<79x128xi32, #tpu.memory_space<hbm>>
      %dma_start3A_27 = arith.constant 0 : i32
      %dma_start3A_28 = arith.constant 0 : i32
      %dma_start3A_29 = tpu.memref_slice %arg4[%arg1, %dma_start3A_27, %dma_start3A_28] : memref<16x79x128xi32, #tpu.memory_space<hbm>> -> memref<1x79x128xi32, #tpu.memory_space<hbm>>
      %dma_start3A_30 = tpu.memref_squeeze %dma_start3A_29 : memref<1x79x128xi32, #tpu.memory_space<hbm>> -> memref<79x128xi32, #tpu.memory_space<hbm>>
      tpu.enqueue_dma source(%dma_start3A_30 : memref<79x128xi32, #tpu.memory_space<hbm>>) target(%arg7 : memref<79x128xi32, #tpu.memory_space<vmem>>) target_semaphore(%run_scoped3A : memref<!tpu.dma_semaphore, #tpu.memory_space<semaphore_mem>>)
      %dma_wait3A = arith.constant 0 : i32
      %dma_wait3A_31 = arith.constant 0 : i32
      %dma_wait3A_32 = tpu.memref_slice %arg4[%arg1, %dma_wait3A, %dma_wait3A_31] : memref<16x79x128xi32, #tpu.memory_space<hbm>> -> memref<1x79x128xi32, #tpu.memory_space<hbm>>
      %dma_wait3A_33 = tpu.memref_squeeze %dma_wait3A_32 : memref<1x79x128xi32, #tpu.memory_space<hbm>> -> memref<79x128xi32, #tpu.memory_space<hbm>>
      %dma_wait3A_34 = arith.constant 0 : i32
      %dma_wait3A_35 = arith.constant 0 : i32
      %dma_wait3A_36 = tpu.memref_slice %arg4[%arg1, %dma_wait3A_34, %dma_wait3A_35] : memref<16x79x128xi32, #tpu.memory_space<hbm>> -> memref<1x79x128xi32, #tpu.memory_space<hbm>>
      %dma_wait3A_37 = tpu.memref_squeeze %dma_wait3A_36 : memref<1x79x128xi32, #tpu.memory_space<hbm>> -> memref<79x128xi32, #tpu.memory_space<hbm>>
      tpu.wait_dma2 semaphore(%run_scoped3A : memref<!tpu.dma_semaphore, #tpu.memory_space<semaphore_mem>>) src(%dma_wait3A_37 : memref<79x128xi32, #tpu.memory_space<hbm>>) dst(%arg7 : memref<79x128xi32, #tpu.memory_space<vmem>>)
      tpu.yield
    }) : () -> ()
    %mul3A = arith.constant 640 : i32
    %mul3A_0 = arith.muli %arg1, %mul3A : i32
    %mul3A_1 = arith.constant 2 : i32
    %mul3A_2 = arith.muli %arg0, %mul3A_1 : i32
    %add3A = arith.constant 0 : i32
    %add3A_3 = arith.addi %mul3A_2, %add3A : i32
    "tpu.region"() ({
      %run_scoped3A = tpu.sem_alloc : memref<!tpu.dma_semaphore, #tpu.memory_space<semaphore_mem>>
      %dma_start3A = arith.constant 0 : i32
      %dma_start3A_24 = tpu.memref_slice %arg9[%mul3A_0, %dma_start3A] : memref<10240x128xf32, #tpu.memory_space<vmem_shared>> -> memref<640x128xf32, #tpu.memory_space<vmem_shared>>
      %dma_start3A_25 = arith.constant 0 : i32
      %dma_start3A_26 = arith.constant 0 : i32
      %dma_start3A_27 = tpu.memref_slice %arg2[%add3A_3, %dma_start3A_25, %dma_start3A_26] : memref<4x10240x128xf32, #tpu.memory_space<hbm>> -> memref<1x10240x128xf32, #tpu.memory_space<hbm>>
      %dma_start3A_28 = tpu.memref_squeeze %dma_start3A_27 : memref<1x10240x128xf32, #tpu.memory_space<hbm>> -> memref<10240x128xf32, #tpu.memory_space<hbm>>
      %dma_start3A_29 = arith.constant 0 : i32
      %dma_start3A_30 = tpu.memref_slice %dma_start3A_28[%mul3A_0, %dma_start3A_29] : memref<10240x128xf32, #tpu.memory_space<hbm>> -> memref<640x128xf32, #tpu.memory_space<hbm>>
      tpu.enqueue_dma source(%dma_start3A_30 : memref<640x128xf32, #tpu.memory_space<hbm>>) target(%dma_start3A_24 : memref<640x128xf32, #tpu.memory_space<vmem_shared>>) target_semaphore(%run_scoped3A : memref<!tpu.dma_semaphore, #tpu.memory_space<semaphore_mem>>)
      %dma_wait3A = arith.constant 0 : i32
      %dma_wait3A_31 = tpu.memref_slice %arg9[%mul3A_0, %dma_wait3A] : memref<10240x128xf32, #tpu.memory_space<vmem_shared>> -> memref<640x128xf32, #tpu.memory_space<vmem_shared>>
      %dma_wait3A_32 = arith.constant 0 : i32
      %dma_wait3A_33 = arith.constant 0 : i32
      %dma_wait3A_34 = tpu.memref_slice %arg2[%add3A_3, %dma_wait3A_32, %dma_wait3A_33] : memref<4x10240x128xf32, #tpu.memory_space<hbm>> -> memref<1x10240x128xf32, #tpu.memory_space<hbm>>
      %dma_wait3A_35 = tpu.memref_squeeze %dma_wait3A_34 : memref<1x10240x128xf32, #tpu.memory_space<hbm>> -> memref<10240x128xf32, #tpu.memory_space<hbm>>
      %dma_wait3A_36 = arith.constant 0 : i32
      %dma_wait3A_37 = tpu.memref_slice %dma_wait3A_35[%mul3A_0, %dma_wait3A_36] : memref<10240x128xf32, #tpu.memory_space<hbm>> -> memref<640x128xf32, #tpu.memory_space<hbm>>
      tpu.wait_dma2 semaphore(%run_scoped3A : memref<!tpu.dma_semaphore, #tpu.memory_space<semaphore_mem>>) src(%dma_wait3A_37 : memref<640x128xf32, #tpu.memory_space<hbm>>) dst(%dma_wait3A_31 : memref<640x128xf32, #tpu.memory_space<vmem_shared>>)
      tpu.yield
    }) : () -> ()
    %barrier3A = arith.constant 0 : index
    tpu.barrier barrier_id(%barrier3A)
    %scan3A = arith.constant 0 : i32
    %scan3A_4 = arith.constant 0 : i32
    %scan3A_5 = arith.constant 79 : i32
    %scan3A_6 = arith.addi %scan3A_4, %scan3A_5 : i32
    %scan3A_7 = arith.constant 1 : i32
    scf.for %scan3A_24 = %scan3A_4 to %scan3A_6 step %scan3A_7  : i32 {
      %dma_start3A = arith.constant 0 : i32
      %dma_start3A_25 = tpu.memref_slice %arg6[%scan3A_24, %dma_start3A] : memref<79x128xi32, #tpu.memory_space<vmem>> -> memref<1x128xi32, #tpu.memory_space<vmem>>
      %dma_start3A_26 = tpu.memref_squeeze %dma_start3A_25 : memref<1x128xi32, #tpu.memory_space<vmem>> -> memref<128xi32, #tpu.memory_space<vmem>>
      %dma_start3A_27 = arith.constant 0 : i32
      %dma_start3A_28 = arith.constant 0 : i32
      %dma_start3A_29 = tpu.memref_slice %arg2[%add3A_3, %dma_start3A_27, %dma_start3A_28] : memref<4x10240x128xf32, #tpu.memory_space<hbm>> -> memref<1x10240x128xf32, #tpu.memory_space<hbm>>
      %dma_start3A_30 = tpu.memref_squeeze %dma_start3A_29 : memref<1x10240x128xf32, #tpu.memory_space<hbm>> -> memref<10240x128xf32, #tpu.memory_space<hbm>>
      %dma_start3A_31 = arith.constant 0 : i32
      %dma_start3A_32 = arith.constant 0 : i32
      %dma_start3A_33 = tpu.memref_slice %dma_start3A_30[%dma_start3A_31, %dma_start3A_32] : memref<10240x128xf32, #tpu.memory_space<hbm>> -> memref<10240x128xf32, #tpu.memory_space<hbm>>
      tpu.enqueue_indirect_dma source(%dma_start3A_33 : memref<10240x128xf32, #tpu.memory_space<hbm>>) target(%arg8 : memref<128x128xf32, #tpu.memory_space<vmem>>) offsets(%dma_start3A_26 : memref<128xi32, #tpu.memory_space<vmem>>) semaphore(%arg10 : memref<!tpu.dma_semaphore, #tpu.memory_space<semaphore_mem>>)
      %dma_wait3A = arith.constant 0 : i32
      %dma_wait3A_34 = tpu.memref_slice %arg6[%scan3A_24, %dma_wait3A] : memref<79x128xi32, #tpu.memory_space<vmem>> -> memref<1x128xi32, #tpu.memory_space<vmem>>
      %dma_wait3A_35 = tpu.memref_squeeze %dma_wait3A_34 : memref<1x128xi32, #tpu.memory_space<vmem>> -> memref<128xi32, #tpu.memory_space<vmem>>
      %dma_wait3A_36 = arith.constant 0 : i32
      %dma_wait3A_37 = arith.constant 0 : i32
      %dma_wait3A_38 = tpu.memref_slice %arg2[%add3A_3, %dma_wait3A_36, %dma_wait3A_37] : memref<4x10240x128xf32, #tpu.memory_space<hbm>> -> memref<1x10240x128xf32, #tpu.memory_space<hbm>>
      %dma_wait3A_39 = tpu.memref_squeeze %dma_wait3A_38 : memref<1x10240x128xf32, #tpu.memory_space<hbm>> -> memref<10240x128xf32, #tpu.memory_space<hbm>>
      %dma_wait3A_40 = arith.constant 0 : i32
      %dma_wait3A_41 = arith.constant 0 : i32
      %dma_wait3A_42 = tpu.memref_slice %dma_wait3A_39[%dma_wait3A_40, %dma_wait3A_41] : memref<10240x128xf32, #tpu.memory_space<hbm>> -> memref<10240x128xf32, #tpu.memory_space<hbm>>
      tpu.wait_indirect_dma semaphore(%arg10 : memref<!tpu.dma_semaphore, #tpu.memory_space<semaphore_mem>>) src(%dma_wait3A_42 : memref<10240x128xf32, #tpu.memory_space<hbm>>) dst(%arg8 : memref<128x128xf32, #tpu.memory_space<vmem>>)
      %dma_start3A_43 = arith.constant 0 : i32
      %dma_start3A_44 = tpu.memref_slice %arg7[%scan3A_24, %dma_start3A_43] : memref<79x128xi32, #tpu.memory_space<vmem>> -> memref<1x128xi32, #tpu.memory_space<vmem>>
      %dma_start3A_45 = tpu.memref_squeeze %dma_start3A_44 : memref<1x128xi32, #tpu.memory_space<vmem>> -> memref<128xi32, #tpu.memory_space<vmem>>
      %dma_start3A_46 = arith.constant 0 : i32
      %dma_start3A_47 = arith.constant 0 : i32
      %dma_start3A_48 = tpu.memref_slice %arg9[%dma_start3A_46, %dma_start3A_47] : memref<10240x128xf32, #tpu.memory_space<vmem_shared>> -> memref<10240x128xf32, #tpu.memory_space<vmem_shared>>
      tpu.enqueue_indirect_dma source(%arg8 : memref<128x128xf32, #tpu.memory_space<vmem>>) target(%dma_start3A_48 : memref<10240x128xf32, #tpu.memory_space<vmem_shared>>) offsets(%dma_start3A_45 : memref<128xi32, #tpu.memory_space<vmem>>) semaphore(%arg11 : memref<!tpu.dma_semaphore, #tpu.memory_space<semaphore_mem>>) {add = true}
      %dma_wait3A_49 = arith.constant 0 : i32
      %dma_wait3A_50 = tpu.memref_slice %arg7[%scan3A_24, %dma_wait3A_49] : memref<79x128xi32, #tpu.memory_space<vmem>> -> memref<1x128xi32, #tpu.memory_space<vmem>>
      %dma_wait3A_51 = tpu.memref_squeeze %dma_wait3A_50 : memref<1x128xi32, #tpu.memory_space<vmem>> -> memref<128xi32, #tpu.memory_space<vmem>>
      %dma_wait3A_52 = arith.constant 0 : i32
      %dma_wait3A_53 = arith.constant 0 : i32
      %dma_wait3A_54 = tpu.memref_slice %arg9[%dma_wait3A_52, %dma_wait3A_53] : memref<10240x128xf32, #tpu.memory_space<vmem_shared>> -> memref<10240x128xf32, #tpu.memory_space<vmem_shared>>
      tpu.wait_indirect_dma semaphore(%arg11 : memref<!tpu.dma_semaphore, #tpu.memory_space<semaphore_mem>>) src(%arg8 : memref<128x128xf32, #tpu.memory_space<vmem>>) dst(%dma_wait3A_54 : memref<10240x128xf32, #tpu.memory_space<vmem_shared>>)
    }
    %scan3A_8 = arith.constant 79 : i32
    %barrier3A_9 = arith.constant 0 : index
    tpu.barrier barrier_id(%barrier3A_9)
    "tpu.region"() ({
      %run_scoped3A = tpu.sem_alloc : memref<!tpu.dma_semaphore, #tpu.memory_space<semaphore_mem>>
      %dma_start3A = arith.constant 0 : i32
      %dma_start3A_24 = arith.constant 0 : i32
      %dma_start3A_25 = tpu.memref_slice %arg5[%add3A_3, %dma_start3A, %dma_start3A_24] : memref<4x10240x128xf32, #tpu.memory_space<hbm>> -> memref<1x10240x128xf32, #tpu.memory_space<hbm>>
      %dma_start3A_26 = tpu.memref_squeeze %dma_start3A_25 : memref<1x10240x128xf32, #tpu.memory_space<hbm>> -> memref<10240x128xf32, #tpu.memory_space<hbm>>
      %dma_start3A_27 = arith.constant 0 : i32
      %dma_start3A_28 = tpu.memref_slice %dma_start3A_26[%mul3A_0, %dma_start3A_27] : memref<10240x128xf32, #tpu.memory_space<hbm>> -> memref<640x128xf32, #tpu.memory_space<hbm>>
      %dma_start3A_29 = arith.constant 0 : i32
      %dma_start3A_30 = tpu.memref_slice %arg9[%mul3A_0, %dma_start3A_29] : memref<10240x128xf32, #tpu.memory_space<vmem_shared>> -> memref<640x128xf32, #tpu.memory_space<vmem_shared>>
      tpu.enqueue_dma source(%dma_start3A_30 : memref<640x128xf32, #tpu.memory_space<vmem_shared>>) target(%dma_start3A_28 : memref<640x128xf32, #tpu.memory_space<hbm>>) target_semaphore(%run_scoped3A : memref<!tpu.dma_semaphore, #tpu.memory_space<semaphore_mem>>)
      %dma_wait3A = arith.constant 0 : i32
      %dma_wait3A_31 = arith.constant 0 : i32
      %dma_wait3A_32 = tpu.memref_slice %arg5[%add3A_3, %dma_wait3A, %dma_wait3A_31] : memref<4x10240x128xf32, #tpu.memory_space<hbm>> -> memref<1x10240x128xf32, #tpu.memory_space<hbm>>
      %dma_wait3A_33 = tpu.memref_squeeze %dma_wait3A_32 : memref<1x10240x128xf32, #tpu.memory_space<hbm>> -> memref<10240x128xf32, #tpu.memory_space<hbm>>
      %dma_wait3A_34 = arith.constant 0 : i32
      %dma_wait3A_35 = tpu.memref_slice %dma_wait3A_33[%mul3A_0, %dma_wait3A_34] : memref<10240x128xf32, #tpu.memory_space<hbm>> -> memref<640x128xf32, #tpu.memory_space<hbm>>
      %dma_wait3A_36 = arith.constant 0 : i32
      %dma_wait3A_37 = tpu.memref_slice %arg9[%mul3A_0, %dma_wait3A_36] : memref<10240x128xf32, #tpu.memory_space<vmem_shared>> -> memref<640x128xf32, #tpu.memory_space<vmem_shared>>
      tpu.wait_dma2 semaphore(%run_scoped3A : memref<!tpu.dma_semaphore, #tpu.memory_space<semaphore_mem>>) src(%dma_wait3A_37 : memref<640x128xf32, #tpu.memory_space<vmem_shared>>) dst(%dma_wait3A_35 : memref<640x128xf32, #tpu.memory_space<hbm>>)
      tpu.yield
    }) : () -> ()
    %barrier3A_10 = arith.constant 0 : index
    tpu.barrier barrier_id(%barrier3A_10)
    %mul3A_11 = arith.constant 2 : i32
    %mul3A_12 = arith.muli %arg0, %mul3A_11 : i32
    %add3A_13 = arith.constant 1 : i32
    %add3A_14 = arith.addi %mul3A_12, %add3A_13 : i32
    "tpu.region"() ({
      %run_scoped3A = tpu.sem_alloc : memref<!tpu.dma_semaphore, #tpu.memory_space<semaphore_mem>>
      %dma_start3A = arith.constant 0 : i32
      %dma_start3A_24 = tpu.memref_slice %arg9[%mul3A_0, %dma_start3A] : memref<10240x128xf32, #tpu.memory_space<vmem_shared>> -> memref<640x128xf32, #tpu.memory_space<vmem_shared>>
      %dma_start3A_25 = arith.constant 0 : i32
      %dma_start3A_26 = arith.constant 0 : i32
      %dma_start3A_27 = tpu.memref_slice %arg2[%add3A_14, %dma_start3A_25, %dma_start3A_26] : memref<4x10240x128xf32, #tpu.memory_space<hbm>> -> memref<1x10240x128xf32, #tpu.memory_space<hbm>>
      %dma_start3A_28 = tpu.memref_squeeze %dma_start3A_27 : memref<1x10240x128xf32, #tpu.memory_space<hbm>> -> memref<10240x128xf32, #tpu.memory_space<hbm>>
      %dma_start3A_29 = arith.constant 0 : i32
      %dma_start3A_30 = tpu.memref_slice %dma_start3A_28[%mul3A_0, %dma_start3A_29] : memref<10240x128xf32, #tpu.memory_space<hbm>> -> memref<640x128xf32, #tpu.memory_space<hbm>>
      tpu.enqueue_dma source(%dma_start3A_30 : memref<640x128xf32, #tpu.memory_space<hbm>>) target(%dma_start3A_24 : memref<640x128xf32, #tpu.memory_space<vmem_shared>>) target_semaphore(%run_scoped3A : memref<!tpu.dma_semaphore, #tpu.memory_space<semaphore_mem>>)
      %dma_wait3A = arith.constant 0 : i32
      %dma_wait3A_31 = tpu.memref_slice %arg9[%mul3A_0, %dma_wait3A] : memref<10240x128xf32, #tpu.memory_space<vmem_shared>> -> memref<640x128xf32, #tpu.memory_space<vmem_shared>>
      %dma_wait3A_32 = arith.constant 0 : i32
      %dma_wait3A_33 = arith.constant 0 : i32
      %dma_wait3A_34 = tpu.memref_slice %arg2[%add3A_14, %dma_wait3A_32, %dma_wait3A_33] : memref<4x10240x128xf32, #tpu.memory_space<hbm>> -> memref<1x10240x128xf32, #tpu.memory_space<hbm>>
      %dma_wait3A_35 = tpu.memref_squeeze %dma_wait3A_34 : memref<1x10240x128xf32, #tpu.memory_space<hbm>> -> memref<10240x128xf32, #tpu.memory_space<hbm>>
      %dma_wait3A_36 = arith.constant 0 : i32
      %dma_wait3A_37 = tpu.memref_slice %dma_wait3A_35[%mul3A_0, %dma_wait3A_36] : memref<10240x128xf32, #tpu.memory_space<hbm>> -> memref<640x128xf32, #tpu.memory_space<hbm>>
      tpu.wait_dma2 semaphore(%run_scoped3A : memref<!tpu.dma_semaphore, #tpu.memory_space<semaphore_mem>>) src(%dma_wait3A_37 : memref<640x128xf32, #tpu.memory_space<hbm>>) dst(%dma_wait3A_31 : memref<640x128xf32, #tpu.memory_space<vmem_shared>>)
      tpu.yield
    }) : () -> ()
    %barrier3A_15 = arith.constant 0 : index
    tpu.barrier barrier_id(%barrier3A_15)
    %scan3A_16 = arith.constant 0 : i32
    %scan3A_17 = arith.constant 0 : i32
    %scan3A_18 = arith.constant 79 : i32
    %scan3A_19 = arith.addi %scan3A_17, %scan3A_18 : i32
    %scan3A_20 = arith.constant 1 : i32
    scf.for %scan3A_24 = %scan3A_17 to %scan3A_19 step %scan3A_20  : i32 {
      %dma_start3A = arith.constant 0 : i32
      %dma_start3A_25 = tpu.memref_slice %arg6[%scan3A_24, %dma_start3A] : memref<79x128xi32, #tpu.memory_space<vmem>> -> memref<1x128xi32, #tpu.memory_space<vmem>>
      %dma_start3A_26 = tpu.memref_squeeze %dma_start3A_25 : memref<1x128xi32, #tpu.memory_space<vmem>> -> memref<128xi32, #tpu.memory_space<vmem>>
      %dma_start3A_27 = arith.constant 0 : i32
      %dma_start3A_28 = arith.constant 0 : i32
      %dma_start3A_29 = tpu.memref_slice %arg2[%add3A_14, %dma_start3A_27, %dma_start3A_28] : memref<4x10240x128xf32, #tpu.memory_space<hbm>> -> memref<1x10240x128xf32, #tpu.memory_space<hbm>>
      %dma_start3A_30 = tpu.memref_squeeze %dma_start3A_29 : memref<1x10240x128xf32, #tpu.memory_space<hbm>> -> memref<10240x128xf32, #tpu.memory_space<hbm>>
      %dma_start3A_31 = arith.constant 0 : i32
      %dma_start3A_32 = arith.constant 0 : i32
      %dma_start3A_33 = tpu.memref_slice %dma_start3A_30[%dma_start3A_31, %dma_start3A_32] : memref<10240x128xf32, #tpu.memory_space<hbm>> -> memref<10240x128xf32, #tpu.memory_space<hbm>>
      tpu.enqueue_indirect_dma source(%dma_start3A_33 : memref<10240x128xf32, #tpu.memory_space<hbm>>) target(%arg8 : memref<128x128xf32, #tpu.memory_space<vmem>>) offsets(%dma_start3A_26 : memref<128xi32, #tpu.memory_space<vmem>>) semaphore(%arg10 : memref<!tpu.dma_semaphore, #tpu.memory_space<semaphore_mem>>)
      %dma_wait3A = arith.constant 0 : i32
      %dma_wait3A_34 = tpu.memref_slice %arg6[%scan3A_24, %dma_wait3A] : memref<79x128xi32, #tpu.memory_space<vmem>> -> memref<1x128xi32, #tpu.memory_space<vmem>>
      %dma_wait3A_35 = tpu.memref_squeeze %dma_wait3A_34 : memref<1x128xi32, #tpu.memory_space<vmem>> -> memref<128xi32, #tpu.memory_space<vmem>>
      %dma_wait3A_36 = arith.constant 0 : i32
      %dma_wait3A_37 = arith.constant 0 : i32
      %dma_wait3A_38 = tpu.memref_slice %arg2[%add3A_14, %dma_wait3A_36, %dma_wait3A_37] : memref<4x10240x128xf32, #tpu.memory_space<hbm>> -> memref<1x10240x128xf32, #tpu.memory_space<hbm>>
      %dma_wait3A_39 = tpu.memref_squeeze %dma_wait3A_38 : memref<1x10240x128xf32, #tpu.memory_space<hbm>> -> memref<10240x128xf32, #tpu.memory_space<hbm>>
      %dma_wait3A_40 = arith.constant 0 : i32
      %dma_wait3A_41 = arith.constant 0 : i32
      %dma_wait3A_42 = tpu.memref_slice %dma_wait3A_39[%dma_wait3A_40, %dma_wait3A_41] : memref<10240x128xf32, #tpu.memory_space<hbm>> -> memref<10240x128xf32, #tpu.memory_space<hbm>>
      tpu.wait_indirect_dma semaphore(%arg10 : memref<!tpu.dma_semaphore, #tpu.memory_space<semaphore_mem>>) src(%dma_wait3A_42 : memref<10240x128xf32, #tpu.memory_space<hbm>>) dst(%arg8 : memref<128x128xf32, #tpu.memory_space<vmem>>)
      %dma_start3A_43 = arith.constant 0 : i32
      %dma_start3A_44 = tpu.memref_slice %arg7[%scan3A_24, %dma_start3A_43] : memref<79x128xi32, #tpu.memory_space<vmem>> -> memref<1x128xi32, #tpu.memory_space<vmem>>
      %dma_start3A_45 = tpu.memref_squeeze %dma_start3A_44 : memref<1x128xi32, #tpu.memory_space<vmem>> -> memref<128xi32, #tpu.memory_space<vmem>>
      %dma_start3A_46 = arith.constant 0 : i32
      %dma_start3A_47 = arith.constant 0 : i32
      %dma_start3A_48 = tpu.memref_slice %arg9[%dma_start3A_46, %dma_start3A_47] : memref<10240x128xf32, #tpu.memory_space<vmem_shared>> -> memref<10240x128xf32, #tpu.memory_space<vmem_shared>>
      tpu.enqueue_indirect_dma source(%arg8 : memref<128x128xf32, #tpu.memory_space<vmem>>) target(%dma_start3A_48 : memref<10240x128xf32, #tpu.memory_space<vmem_shared>>) offsets(%dma_start3A_45 : memref<128xi32, #tpu.memory_space<vmem>>) semaphore(%arg11 : memref<!tpu.dma_semaphore, #tpu.memory_space<semaphore_mem>>) {add = true}
      %dma_wait3A_49 = arith.constant 0 : i32
      %dma_wait3A_50 = tpu.memref_slice %arg7[%scan3A_24, %dma_wait3A_49] : memref<79x128xi32, #tpu.memory_space<vmem>> -> memref<1x128xi32, #tpu.memory_space<vmem>>
      %dma_wait3A_51 = tpu.memref_squeeze %dma_wait3A_50 : memref<1x128xi32, #tpu.memory_space<vmem>> -> memref<128xi32, #tpu.memory_space<vmem>>
      %dma_wait3A_52 = arith.constant 0 : i32
      %dma_wait3A_53 = arith.constant 0 : i32
      %dma_wait3A_54 = tpu.memref_slice %arg9[%dma_wait3A_52, %dma_wait3A_53] : memref<10240x128xf32, #tpu.memory_space<vmem_shared>> -> memref<10240x128xf32, #tpu.memory_space<vmem_shared>>
      tpu.wait_indirect_dma semaphore(%arg11 : memref<!tpu.dma_semaphore, #tpu.memory_space<semaphore_mem>>) src(%arg8 : memref<128x128xf32, #tpu.memory_space<vmem>>) dst(%dma_wait3A_54 : memref<10240x128xf32, #tpu.memory_space<vmem_shared>>)
    }
    %scan3A_21 = arith.constant 79 : i32
    %barrier3A_22 = arith.constant 0 : index
    tpu.barrier barrier_id(%barrier3A_22)
    "tpu.region"() ({
      %run_scoped3A = tpu.sem_alloc : memref<!tpu.dma_semaphore, #tpu.memory_space<semaphore_mem>>
      %dma_start3A = arith.constant 0 : i32
      %dma_start3A_24 = arith.constant 0 : i32
      %dma_start3A_25 = tpu.memref_slice %arg5[%add3A_14, %dma_start3A, %dma_start3A_24] : memref<4x10240x128xf32, #tpu.memory_space<hbm>> -> memref<1x10240x128xf32, #tpu.memory_space<hbm>>
      %dma_start3A_26 = tpu.memref_squeeze %dma_start3A_25 : memref<1x10240x128xf32, #tpu.memory_space<hbm>> -> memref<10240x128xf32, #tpu.memory_space<hbm>>
      %dma_start3A_27 = arith.constant 0 : i32
      %dma_start3A_28 = tpu.memref_slice %dma_start3A_26[%mul3A_0, %dma_start3A_27] : memref<10240x128xf32, #tpu.memory_space<hbm>> -> memref<640x128xf32, #tpu.memory_space<hbm>>
      %dma_start3A_29 = arith.constant 0 : i32
      %dma_start3A_30 = tpu.memref_slice %arg9[%mul3A_0, %dma_start3A_29] : memref<10240x128xf32, #tpu.memory_space<vmem_shared>> -> memref<640x128xf32, #tpu.memory_space<vmem_shared>>
      tpu.enqueue_dma source(%dma_start3A_30 : memref<640x128xf32, #tpu.memory_space<vmem_shared>>) target(%dma_start3A_28 : memref<640x128xf32, #tpu.memory_space<hbm>>) target_semaphore(%run_scoped3A : memref<!tpu.dma_semaphore, #tpu.memory_space<semaphore_mem>>)
      %dma_wait3A = arith.constant 0 : i32
      %dma_wait3A_31 = arith.constant 0 : i32
      %dma_wait3A_32 = tpu.memref_slice %arg5[%add3A_14, %dma_wait3A, %dma_wait3A_31] : memref<4x10240x128xf32, #tpu.memory_space<hbm>> -> memref<1x10240x128xf32, #tpu.memory_space<hbm>>
      %dma_wait3A_33 = tpu.memref_squeeze %dma_wait3A_32 : memref<1x10240x128xf32, #tpu.memory_space<hbm>> -> memref<10240x128xf32, #tpu.memory_space<hbm>>
      %dma_wait3A_34 = arith.constant 0 : i32
      %dma_wait3A_35 = tpu.memref_slice %dma_wait3A_33[%mul3A_0, %dma_wait3A_34] : memref<10240x128xf32, #tpu.memory_space<hbm>> -> memref<640x128xf32, #tpu.memory_space<hbm>>
      %dma_wait3A_36 = arith.constant 0 : i32
      %dma_wait3A_37 = tpu.memref_slice %arg9[%mul3A_0, %dma_wait3A_36] : memref<10240x128xf32, #tpu.memory_space<vmem_shared>> -> memref<640x128xf32, #tpu.memory_space<vmem_shared>>
      tpu.wait_dma2 semaphore(%run_scoped3A : memref<!tpu.dma_semaphore, #tpu.memory_space<semaphore_mem>>) src(%dma_wait3A_37 : memref<640x128xf32, #tpu.memory_space<vmem_shared>>) dst(%dma_wait3A_35 : memref<640x128xf32, #tpu.memory_space<hbm>>)
      tpu.yield
    }) : () -> ()
    %barrier3A_23 = arith.constant 0 : index
    tpu.barrier barrier_id(%barrier3A_23)
    return
  }
}

module attributes {stable_mosaic.version = 14 : i64} {
  func.func @_tc1_body(%arg0: i32, %arg1: memref<2x1024x128xf32, #tpu.memory_space<vmem>>, %arg2: memref<1024x256xf32, #tpu.memory_space<vmem>>, %arg3: memref<2x1024x128xf32, #tpu.memory_space<vmem>>, %arg4: memref<1024x8xf32, #tpu.memory_space<vmem>>) attributes {dimension_semantics = [#tpu.dimension_semantics<arbitrary>], iteration_bounds = array<i64: 10>, scalar_prefetch = 0 : i64, scratch_operands = 0 : i64, tpu.core_type = #tpu.core_type<tc>, window_params = [{transform_indices = @transform_0, window_bounds = array<i64: 2, 1024, 128>}, {transform_indices = @transform_1, window_bounds = array<i64: 1024, 256>}, {transform_indices = @transform_2, window_bounds = array<i64: 2, 1024, 128>}, {transform_indices = @transform_3, window_bounds = array<i64: 1024, 8>}]} {
    %iota3A = tpu.iota {dimensions = array<i32: 0>} : vector<1024x1xi32>
    %mul3A = arith.constant 1024 : i32
    %mul3A_0 = arith.muli %arg0, %mul3A : i32
    %add3A = vector.broadcast %mul3A_0 : i32 to vector<1024x1xi32>
    %add3A_1 = arith.addi %iota3A, %add3A : vector<1024x1xi32>
    %get3A = arith.constant 0 : index
    %get3A_2 = arith.constant 0 : index
    %get3A_3 = arith.constant 0 : index
    %get3A_4 = vector.load %arg1[%get3A, %get3A_2, %get3A_3] : memref<2x1024x128xf32, #tpu.memory_space<vmem>>, vector<1x1024x1xf32>
    %get3A_5 = vector.shape_cast %get3A_4 : vector<1x1024x1xf32> to vector<1024x1xf32>
    %get3A_6 = arith.constant 1 : index
    %get3A_7 = arith.constant 0 : index
    %get3A_8 = arith.constant 0 : index
    %get3A_9 = vector.load %arg1[%get3A_6, %get3A_7, %get3A_8] : memref<2x1024x128xf32, #tpu.memory_space<vmem>>, vector<1x1024x1xf32>
    %get3A_10 = vector.shape_cast %get3A_9 : vector<1x1024x1xf32> to vector<1024x1xf32>
    %add3A_11 = arith.addf %get3A_5, %get3A_10 : vector<1024x1xf32>
    %sub3A = arith.constant 1.000000e+00 : f32
    %sub3A_12 = vector.broadcast %sub3A : f32 to vector<1024x1xf32>
    %sub3A_13 = arith.subf %add3A_11, %sub3A_12 : vector<1024x1xf32>
    %lt3A = arith.constant 10000 : i32
    %lt3A_14 = vector.broadcast %lt3A : i32 to vector<1024x1xi32>
    %lt3A_15 = arith.cmpi slt, %add3A_1, %lt3A_14 : vector<1024x1xi32>
    %rsqrt3A = math.rsqrt %sub3A_13 : vector<1024x1xf32>
    %jit3A = arith.constant 0.000000e+00 : f32
    %broadcast_in_dim3A = vector.broadcast %jit3A : f32 to vector<1024x1xf32>
    %select_n3A = arith.select %lt3A_15, %rsqrt3A, %broadcast_in_dim3A : vector<1024x1xi1>, vector<1024x1xf32>
    %get3A_16 = arith.constant 0 : index
    %get3A_17 = arith.constant 0 : index
    %get3A_18 = vector.load %arg2[%get3A_16, %get3A_17] : memref<1024x256xf32, #tpu.memory_space<vmem>>, vector<1024x256xf32>
    %mul3A_19 = vector.broadcast %select_n3A : vector<1024x1xf32> to vector<1024x256xf32>
    %mul3A_20 = arith.mulf %mul3A_19, %get3A_18 : vector<1024x256xf32>
    %slice3A = vector.extract_strided_slice %mul3A_20 {offsets = [0, 0], sizes = [1024, 128], strides = [1, 1]} : vector<1024x256xf32> to vector<1024x128xf32>
    %swap3A = arith.constant 0 : index
    %swap3A_21 = arith.constant 0 : index
    %swap3A_22 = arith.constant 0 : index
    %swap3A_23 = vector.load %arg3[%swap3A, %swap3A_21, %swap3A_22] : memref<2x1024x128xf32, #tpu.memory_space<vmem>>, vector<1x1024x128xf32>
    %swap3A_24 = vector.shape_cast %swap3A_23 : vector<1x1024x128xf32> to vector<1024x128xf32>
    %swap3A_25 = vector.shape_cast %slice3A : vector<1024x128xf32> to vector<1x1024x128xf32>
    tpu.vector_store %arg3[%swap3A, %swap3A_21, %swap3A_22], %swap3A_25 {strides = array<i32>} : memref<2x1024x128xf32, #tpu.memory_space<vmem>>, vector<1x1024x128xf32>,
    %slice3A_26 = vector.extract_strided_slice %mul3A_20 {offsets = [0, 128], sizes = [1024, 128], strides = [1, 1]} : vector<1024x256xf32> to vector<1024x128xf32>
    %swap3A_27 = arith.constant 1 : index
    %swap3A_28 = arith.constant 0 : index
    %swap3A_29 = arith.constant 0 : index
    %swap3A_30 = vector.load %arg3[%swap3A_27, %swap3A_28, %swap3A_29] : memref<2x1024x128xf32, #tpu.memory_space<vmem>>, vector<1x1024x128xf32>
    %swap3A_31 = vector.shape_cast %swap3A_30 : vector<1x1024x128xf32> to vector<1024x128xf32>
    %swap3A_32 = vector.shape_cast %slice3A_26 : vector<1024x128xf32> to vector<1x1024x128xf32>
    tpu.vector_store %arg3[%swap3A_27, %swap3A_28, %swap3A_29], %swap3A_32 {strides = array<i32>} : memref<2x1024x128xf32, #tpu.memory_space<vmem>>, vector<1x1024x128xf32>,
    %broadcast_in_dim3A_33 = vector.shape_cast %select_n3A : vector<1024x1xf32> to vector<1024x1xf32>
    %broadcast_in_dim3A_34 = vector.broadcast %broadcast_in_dim3A_33 : vector<1024x1xf32> to vector<1024x8xf32>
    %swap3A_35 = arith.constant 0 : index
    %swap3A_36 = arith.constant 0 : index
    %swap3A_37 = vector.load %arg4[%swap3A_35, %swap3A_36] : memref<1024x8xf32, #tpu.memory_space<vmem>>, vector<1024x8xf32>
    tpu.vector_store %arg4[%swap3A_35, %swap3A_36], %broadcast_in_dim3A_34 {strides = array<i32>} : memref<1024x8xf32, #tpu.memory_space<vmem>>, vector<1024x8xf32>,
    return
  }
  func.func @transform_0(%arg0: i32) -> (i32, i32, i32) {
    %c0_i32 = arith.constant 0 : i32
    %c0_i32_0 = arith.constant 0 : i32
    %c0_i32_1 = arith.constant 0 : i32
    return %c0_i32, %arg0, %c0_i32_0 : i32, i32, i32
  }
  func.func @transform_1(%arg0: i32) -> (i32, i32) {
    %c0_i32 = arith.constant 0 : i32
    %c0_i32_0 = arith.constant 0 : i32
    return %arg0, %c0_i32 : i32, i32
  }
  func.func @transform_2(%arg0: i32) -> (i32, i32, i32) {
    %c0_i32 = arith.constant 0 : i32
    %c0_i32_0 = arith.constant 0 : i32
    %c0_i32_1 = arith.constant 0 : i32
    return %c0_i32, %arg0, %c0_i32_0 : i32, i32, i32
  }
  func.func @transform_3(%arg0: i32) -> (i32, i32) {
    %c0_i32 = arith.constant 0 : i32
    %c0_i32_0 = arith.constant 0 : i32
    return %arg0, %c0_i32 : i32, i32
  }
}

module attributes {stable_mosaic.version = 14 : i64} {
  func.func @_tc2_body(%arg0: i32, %arg1: memref<2x1024x128xf32, #tpu.memory_space<vmem>>, %arg2: memref<1024x8xf32, #tpu.memory_space<vmem>>, %arg3: memref<256x512xf32, #tpu.memory_space<vmem>>, %arg4: memref<1x512xf32, #tpu.memory_space<vmem>>, %arg5: memref<4x1024x128xf32, #tpu.memory_space<vmem>>) attributes {dimension_semantics = [#tpu.dimension_semantics<arbitrary>], iteration_bounds = array<i64: 10>, scalar_prefetch = 0 : i64, scratch_operands = 0 : i64, tpu.core_type = #tpu.core_type<tc>, window_params = [{transform_indices = @transform_0, window_bounds = array<i64: 2, 1024, 128>}, {transform_indices = @transform_1, window_bounds = array<i64: 1024, 8>}, {pipeline_mode = #tpu.pipeline_mode<synchronous>, transform_indices = @transform_2, window_bounds = array<i64: 256, 512>}, {pipeline_mode = #tpu.pipeline_mode<synchronous>, transform_indices = @transform_3, window_bounds = array<i64: 1, 512>}, {transform_indices = @transform_4, window_bounds = array<i64: 4, 1024, 128>}]} {
    %get3A = arith.constant 0 : index
    %get3A_0 = arith.constant 0 : index
    %get3A_1 = vector.load %arg2[%get3A, %get3A_0] : memref<1024x8xf32, #tpu.memory_space<vmem>>, vector<1024x1xf32>
    %get3A_2 = arith.constant 0 : index
    %get3A_3 = arith.constant 0 : index
    %get3A_4 = arith.constant 0 : index
    %get3A_5 = vector.load %arg1[%get3A_2, %get3A_3, %get3A_4] : memref<2x1024x128xf32, #tpu.memory_space<vmem>>, vector<1x1024x128xf32>
    %get3A_6 = vector.shape_cast %get3A_5 : vector<1x1024x128xf32> to vector<1024x128xf32>
    %get3A_7 = arith.constant 0 : index
    %get3A_8 = arith.constant 0 : index
    %get3A_9 = vector.load %arg3[%get3A_7, %get3A_8] : memref<256x512xf32, #tpu.memory_space<vmem>>, vector<128x512xf32>
    %dot_general3A = arith.constant dense<0.000000e+00> : vector<1024x512xf32>
    %dot_general3A_10 = tpu.matmul %get3A_6, %get3A_9, %dot_general3A {dimension_numbers = #tpu.dot_dimension_numbers<[1], [0], [0], [1], [0, 0, 1, 1], [], []>, precision = #tpu.contract_precision<fp32>, transpose_lhs_hint = false} : vector<1024x128xf32>, vector<128x512xf32>, vector<1024x512xf32> -> vector<1024x512xf32>
    %get3A_11 = arith.constant 1 : index
    %get3A_12 = arith.constant 0 : index
    %get3A_13 = arith.constant 0 : index
    %get3A_14 = vector.load %arg1[%get3A_11, %get3A_12, %get3A_13] : memref<2x1024x128xf32, #tpu.memory_space<vmem>>, vector<1x1024x128xf32>
    %get3A_15 = vector.shape_cast %get3A_14 : vector<1x1024x128xf32> to vector<1024x128xf32>
    %get3A_16 = arith.constant 128 : index
    %get3A_17 = arith.constant 0 : index
    %get3A_18 = vector.load %arg3[%get3A_16, %get3A_17] : memref<256x512xf32, #tpu.memory_space<vmem>>, vector<128x512xf32>
    %dot_general3A_19 = arith.constant dense<0.000000e+00> : vector<1024x512xf32>
    %dot_general3A_20 = tpu.matmul %get3A_15, %get3A_18, %dot_general3A_19 {dimension_numbers = #tpu.dot_dimension_numbers<[1], [0], [0], [1], [0, 0, 1, 1], [], []>, precision = #tpu.contract_precision<fp32>, transpose_lhs_hint = false} : vector<1024x128xf32>, vector<128x512xf32>, vector<1024x512xf32> -> vector<1024x512xf32>
    %add3A = arith.addf %dot_general3A_10, %dot_general3A_20 : vector<1024x512xf32>
    %mul3A = vector.broadcast %get3A_1 : vector<1024x1xf32> to vector<1024x512xf32>
    %mul3A_21 = arith.mulf %mul3A, %add3A : vector<1024x512xf32>
    %get3A_22 = arith.constant 0 : index
    %get3A_23 = arith.constant 0 : index
    %get3A_24 = vector.load %arg4[%get3A_22, %get3A_23] : memref<1x512xf32, #tpu.memory_space<vmem>>, vector<1x512xf32>
    %add3A_25 = vector.broadcast %get3A_24 : vector<1x512xf32> to vector<1024x512xf32>
    %add3A_26 = arith.addf %mul3A_21, %add3A_25 : vector<1024x512xf32>
    %max3A = arith.constant 0.000000e+00 : f32
    %max3A_27 = vector.broadcast %max3A : f32 to vector<1024x512xf32>
    %max3A_28 = arith.maximumf %add3A_26, %max3A_27 : vector<1024x512xf32>
    %mul3A_29 = vector.broadcast %get3A_1 : vector<1024x1xf32> to vector<1024x512xf32>
    %mul3A_30 = arith.mulf %mul3A_29, %max3A_28 : vector<1024x512xf32>
    %slice3A = vector.extract_strided_slice %mul3A_30 {offsets = [0, 0], sizes = [1024, 128], strides = [1, 1]} : vector<1024x512xf32> to vector<1024x128xf32>
    %swap3A = arith.constant 0 : index
    %swap3A_31 = arith.constant 0 : index
    %swap3A_32 = arith.constant 0 : index
    %swap3A_33 = vector.load %arg5[%swap3A, %swap3A_31, %swap3A_32] : memref<4x1024x128xf32, #tpu.memory_space<vmem>>, vector<1x1024x128xf32>
    %swap3A_34 = vector.shape_cast %swap3A_33 : vector<1x1024x128xf32> to vector<1024x128xf32>
    %swap3A_35 = vector.shape_cast %slice3A : vector<1024x128xf32> to vector<1x1024x128xf32>
    tpu.vector_store %arg5[%swap3A, %swap3A_31, %swap3A_32], %swap3A_35 {strides = array<i32>} : memref<4x1024x128xf32, #tpu.memory_space<vmem>>, vector<1x1024x128xf32>,
    %slice3A_36 = vector.extract_strided_slice %mul3A_30 {offsets = [0, 128], sizes = [1024, 128], strides = [1, 1]} : vector<1024x512xf32> to vector<1024x128xf32>
    %swap3A_37 = arith.constant 1 : index
    %swap3A_38 = arith.constant 0 : index
    %swap3A_39 = arith.constant 0 : index
    %swap3A_40 = vector.load %arg5[%swap3A_37, %swap3A_38, %swap3A_39] : memref<4x1024x128xf32, #tpu.memory_space<vmem>>, vector<1x1024x128xf32>
    %swap3A_41 = vector.shape_cast %swap3A_40 : vector<1x1024x128xf32> to vector<1024x128xf32>
    %swap3A_42 = vector.shape_cast %slice3A_36 : vector<1024x128xf32> to vector<1x1024x128xf32>
    tpu.vector_store %arg5[%swap3A_37, %swap3A_38, %swap3A_39], %swap3A_42 {strides = array<i32>} : memref<4x1024x128xf32, #tpu.memory_space<vmem>>, vector<1x1024x128xf32>,
    %slice3A_43 = vector.extract_strided_slice %mul3A_30 {offsets = [0, 256], sizes = [1024, 128], strides = [1, 1]} : vector<1024x512xf32> to vector<1024x128xf32>
    %swap3A_44 = arith.constant 2 : index
    %swap3A_45 = arith.constant 0 : index
    %swap3A_46 = arith.constant 0 : index
    %swap3A_47 = vector.load %arg5[%swap3A_44, %swap3A_45, %swap3A_46] : memref<4x1024x128xf32, #tpu.memory_space<vmem>>, vector<1x1024x128xf32>
    %swap3A_48 = vector.shape_cast %swap3A_47 : vector<1x1024x128xf32> to vector<1024x128xf32>
    %swap3A_49 = vector.shape_cast %slice3A_43 : vector<1024x128xf32> to vector<1x1024x128xf32>
    tpu.vector_store %arg5[%swap3A_44, %swap3A_45, %swap3A_46], %swap3A_49 {strides = array<i32>} : memref<4x1024x128xf32, #tpu.memory_space<vmem>>, vector<1x1024x128xf32>,
    %slice3A_50 = vector.extract_strided_slice %mul3A_30 {offsets = [0, 384], sizes = [1024, 128], strides = [1, 1]} : vector<1024x512xf32> to vector<1024x128xf32>
    %swap3A_51 = arith.constant 3 : index
    %swap3A_52 = arith.constant 0 : index
    %swap3A_53 = arith.constant 0 : index
    %swap3A_54 = vector.load %arg5[%swap3A_51, %swap3A_52, %swap3A_53] : memref<4x1024x128xf32, #tpu.memory_space<vmem>>, vector<1x1024x128xf32>
    %swap3A_55 = vector.shape_cast %swap3A_54 : vector<1x1024x128xf32> to vector<1024x128xf32>
    %swap3A_56 = vector.shape_cast %slice3A_50 : vector<1024x128xf32> to vector<1x1024x128xf32>
    tpu.vector_store %arg5[%swap3A_51, %swap3A_52, %swap3A_53], %swap3A_56 {strides = array<i32>} : memref<4x1024x128xf32, #tpu.memory_space<vmem>>, vector<1x1024x128xf32>,
    return
  }
  func.func @transform_0(%arg0: i32) -> (i32, i32, i32) {
    %c0_i32 = arith.constant 0 : i32
    %c0_i32_0 = arith.constant 0 : i32
    %c0_i32_1 = arith.constant 0 : i32
    return %c0_i32, %arg0, %c0_i32_0 : i32, i32, i32
  }
  func.func @transform_1(%arg0: i32) -> (i32, i32) {
    %c0_i32 = arith.constant 0 : i32
    %c0_i32_0 = arith.constant 0 : i32
    return %arg0, %c0_i32 : i32, i32
  }
  func.func @transform_2(%arg0: i32) -> (i32, i32) {
    %c0_i32 = arith.constant 0 : i32
    %c0_i32_0 = arith.constant 0 : i32
    %c0_i32_1 = arith.constant 0 : i32
    return %c0_i32, %c0_i32_0 : i32, i32
  }
  func.func @transform_3(%arg0: i32) -> (i32, i32) {
    %c0_i32 = arith.constant 0 : i32
    %c0_i32_0 = arith.constant 0 : i32
    %c0_i32_1 = arith.constant 0 : i32
    return %c0_i32, %c0_i32_0 : i32, i32
  }
  func.func @transform_4(%arg0: i32) -> (i32, i32, i32) {
    %c0_i32 = arith.constant 0 : i32
    %c0_i32_0 = arith.constant 0 : i32
    %c0_i32_1 = arith.constant 0 : i32
    return %c0_i32, %arg0, %c0_i32_0 : i32, i32, i32
  }
}

module attributes {stable_mosaic.version = 14 : i64} {
  func.func @_tc3_body(%arg0: i32, %arg1: memref<4x1024x128xf32, #tpu.memory_space<vmem>>, %arg2: memref<1024x8xf32, #tpu.memory_space<vmem>>, %arg3: memref<512x512xf32, #tpu.memory_space<vmem>>, %arg4: memref<1x512xf32, #tpu.memory_space<vmem>>, %arg5: memref<512x64xf32, #tpu.memory_space<vmem>>, %arg6: memref<1x1024x128xf32, #tpu.memory_space<vmem>>) attributes {dimension_semantics = [#tpu.dimension_semantics<arbitrary>], iteration_bounds = array<i64: 10>, scalar_prefetch = 0 : i64, scratch_operands = 0 : i64, tpu.core_type = #tpu.core_type<tc>, window_params = [{transform_indices = @transform_0, window_bounds = array<i64: 4, 1024, 128>}, {transform_indices = @transform_1, window_bounds = array<i64: 1024, 8>}, {pipeline_mode = #tpu.pipeline_mode<synchronous>, transform_indices = @transform_2, window_bounds = array<i64: 512, 512>}, {pipeline_mode = #tpu.pipeline_mode<synchronous>, transform_indices = @transform_3, window_bounds = array<i64: 1, 512>}, {pipeline_mode = #tpu.pipeline_mode<synchronous>, transform_indices = @transform_4, window_bounds = array<i64: 512, 64>}, {transform_indices = @transform_5, window_bounds = array<i64: 1, 1024, 128>}]} {
    %get3A = arith.constant 0 : index
    %get3A_0 = arith.constant 0 : index
    %get3A_1 = vector.load %arg2[%get3A, %get3A_0] : memref<1024x8xf32, #tpu.memory_space<vmem>>, vector<1024x1xf32>
    %get3A_2 = arith.constant 0 : index
    %get3A_3 = arith.constant 0 : index
    %get3A_4 = arith.constant 0 : index
    %get3A_5 = vector.load %arg1[%get3A_2, %get3A_3, %get3A_4] : memref<4x1024x128xf32, #tpu.memory_space<vmem>>, vector<1x1024x128xf32>
    %get3A_6 = vector.shape_cast %get3A_5 : vector<1x1024x128xf32> to vector<1024x128xf32>
    %get3A_7 = arith.constant 0 : index
    %get3A_8 = arith.constant 0 : index
    %get3A_9 = vector.load %arg3[%get3A_7, %get3A_8] : memref<512x512xf32, #tpu.memory_space<vmem>>, vector<128x512xf32>
    %dot_general3A = arith.constant dense<0.000000e+00> : vector<1024x512xf32>
    %dot_general3A_10 = tpu.matmul %get3A_6, %get3A_9, %dot_general3A {dimension_numbers = #tpu.dot_dimension_numbers<[1], [0], [0], [1], [0, 0, 1, 1], [], []>, precision = #tpu.contract_precision<fp32>, transpose_lhs_hint = false} : vector<1024x128xf32>, vector<128x512xf32>, vector<1024x512xf32> -> vector<1024x512xf32>
    %get3A_11 = arith.constant 1 : index
    %get3A_12 = arith.constant 0 : index
    %get3A_13 = arith.constant 0 : index
    %get3A_14 = vector.load %arg1[%get3A_11, %get3A_12, %get3A_13] : memref<4x1024x128xf32, #tpu.memory_space<vmem>>, vector<1x1024x128xf32>
    %get3A_15 = vector.shape_cast %get3A_14 : vector<1x1024x128xf32> to vector<1024x128xf32>
    %get3A_16 = arith.constant 128 : index
    %get3A_17 = arith.constant 0 : index
    %get3A_18 = vector.load %arg3[%get3A_16, %get3A_17] : memref<512x512xf32, #tpu.memory_space<vmem>>, vector<128x512xf32>
    %dot_general3A_19 = arith.constant dense<0.000000e+00> : vector<1024x512xf32>
    %dot_general3A_20 = tpu.matmul %get3A_15, %get3A_18, %dot_general3A_19 {dimension_numbers = #tpu.dot_dimension_numbers<[1], [0], [0], [1], [0, 0, 1, 1], [], []>, precision = #tpu.contract_precision<fp32>, transpose_lhs_hint = false} : vector<1024x128xf32>, vector<128x512xf32>, vector<1024x512xf32> -> vector<1024x512xf32>
    %add3A = arith.addf %dot_general3A_10, %dot_general3A_20 : vector<1024x512xf32>
    %get3A_21 = arith.constant 2 : index
    %get3A_22 = arith.constant 0 : index
    %get3A_23 = arith.constant 0 : index
    %get3A_24 = vector.load %arg1[%get3A_21, %get3A_22, %get3A_23] : memref<4x1024x128xf32, #tpu.memory_space<vmem>>, vector<1x1024x128xf32>
    %get3A_25 = vector.shape_cast %get3A_24 : vector<1x1024x128xf32> to vector<1024x128xf32>
    %get3A_26 = arith.constant 256 : index
    %get3A_27 = arith.constant 0 : index
    %get3A_28 = vector.load %arg3[%get3A_26, %get3A_27] : memref<512x512xf32, #tpu.memory_space<vmem>>, vector<128x512xf32>
    %dot_general3A_29 = arith.constant dense<0.000000e+00> : vector<1024x512xf32>
    %dot_general3A_30 = tpu.matmul %get3A_25, %get3A_28, %dot_general3A_29 {dimension_numbers = #tpu.dot_dimension_numbers<[1], [0], [0], [1], [0, 0, 1, 1], [], []>, precision = #tpu.contract_precision<fp32>, transpose_lhs_hint = false} : vector<1024x128xf32>, vector<128x512xf32>, vector<1024x512xf32> -> vector<1024x512xf32>
    %add3A_31 = arith.addf %add3A, %dot_general3A_30 : vector<1024x512xf32>
    %get3A_32 = arith.constant 3 : index
    %get3A_33 = arith.constant 0 : index
    %get3A_34 = arith.constant 0 : index
    %get3A_35 = vector.load %arg1[%get3A_32, %get3A_33, %get3A_34] : memref<4x1024x128xf32, #tpu.memory_space<vmem>>, vector<1x1024x128xf32>
    %get3A_36 = vector.shape_cast %get3A_35 : vector<1x1024x128xf32> to vector<1024x128xf32>
    %get3A_37 = arith.constant 384 : index
    %get3A_38 = arith.constant 0 : index
    %get3A_39 = vector.load %arg3[%get3A_37, %get3A_38] : memref<512x512xf32, #tpu.memory_space<vmem>>, vector<128x512xf32>
    %dot_general3A_40 = arith.constant dense<0.000000e+00> : vector<1024x512xf32>
    %dot_general3A_41 = tpu.matmul %get3A_36, %get3A_39, %dot_general3A_40 {dimension_numbers = #tpu.dot_dimension_numbers<[1], [0], [0], [1], [0, 0, 1, 1], [], []>, precision = #tpu.contract_precision<fp32>, transpose_lhs_hint = false} : vector<1024x128xf32>, vector<128x512xf32>, vector<1024x512xf32> -> vector<1024x512xf32>
    %add3A_42 = arith.addf %add3A_31, %dot_general3A_41 : vector<1024x512xf32>
    %mul3A = vector.broadcast %get3A_1 : vector<1024x1xf32> to vector<1024x512xf32>
    %mul3A_43 = arith.mulf %mul3A, %add3A_42 : vector<1024x512xf32>
    %get3A_44 = arith.constant 0 : index
    %get3A_45 = arith.constant 0 : index
    %get3A_46 = vector.load %arg4[%get3A_44, %get3A_45] : memref<1x512xf32, #tpu.memory_space<vmem>>, vector<1x512xf32>
    %add3A_47 = vector.broadcast %get3A_46 : vector<1x512xf32> to vector<1024x512xf32>
    %add3A_48 = arith.addf %mul3A_43, %add3A_47 : vector<1024x512xf32>
    %max3A = arith.constant 0.000000e+00 : f32
    %max3A_49 = vector.broadcast %max3A : f32 to vector<1024x512xf32>
    %max3A_50 = arith.maximumf %add3A_48, %max3A_49 : vector<1024x512xf32>
    %get3A_51 = arith.constant 0 : index
    %get3A_52 = arith.constant 0 : index
    %get3A_53 = vector.load %arg5[%get3A_51, %get3A_52] : memref<512x64xf32, #tpu.memory_space<vmem>>, vector<512x64xf32>
    %dot_general3A_54 = arith.constant dense<0.000000e+00> : vector<1024x64xf32>
    %dot_general3A_55 = tpu.matmul %max3A_50, %get3A_53, %dot_general3A_54 {dimension_numbers = #tpu.dot_dimension_numbers<[1], [0], [0], [1], [0, 0, 1, 1], [], []>, precision = #tpu.contract_precision<fp32>, transpose_lhs_hint = false} : vector<1024x512xf32>, vector<512x64xf32>, vector<1024x64xf32> -> vector<1024x64xf32>
    %mul3A_56 = vector.broadcast %get3A_1 : vector<1024x1xf32> to vector<1024x64xf32>
    %mul3A_57 = arith.mulf %mul3A_56, %dot_general3A_55 : vector<1024x64xf32>
    %broadcast_in_dim3A = arith.constant 0.000000e+00 : f32
    %broadcast_in_dim3A_58 = vector.broadcast %broadcast_in_dim3A : f32 to vector<1024x64xf32>
    %concatenate3A = tpu.concatenate %mul3A_57, %broadcast_in_dim3A_58 in 1 : vector<1024x64xf32>, vector<1024x64xf32> -> vector<1024x128xf32>
    %swap3A = arith.constant 0 : index
    %swap3A_59 = arith.constant 0 : index
    %swap3A_60 = arith.constant 0 : index
    %swap3A_61 = vector.load %arg6[%swap3A, %swap3A_59, %swap3A_60] : memref<1x1024x128xf32, #tpu.memory_space<vmem>>, vector<1x1024x128xf32>
    %swap3A_62 = vector.shape_cast %swap3A_61 : vector<1x1024x128xf32> to vector<1024x128xf32>
    %swap3A_63 = vector.shape_cast %concatenate3A : vector<1024x128xf32> to vector<1x1024x128xf32>
    tpu.vector_store %arg6[%swap3A, %swap3A_59, %swap3A_60], %swap3A_63 {strides = array<i32>} : memref<1x1024x128xf32, #tpu.memory_space<vmem>>, vector<1x1024x128xf32>,
    return
  }
  func.func @transform_0(%arg0: i32) -> (i32, i32, i32) {
    %c0_i32 = arith.constant 0 : i32
    %c0_i32_0 = arith.constant 0 : i32
    %c0_i32_1 = arith.constant 0 : i32
    return %c0_i32, %arg0, %c0_i32_0 : i32, i32, i32
  }
  func.func @transform_1(%arg0: i32) -> (i32, i32) {
    %c0_i32 = arith.constant 0 : i32
    %c0_i32_0 = arith.constant 0 : i32
    return %arg0, %c0_i32 : i32, i32
  }
  func.func @transform_2(%arg0: i32) -> (i32, i32) {
    %c0_i32 = arith.constant 0 : i32
    %c0_i32_0 = arith.constant 0 : i32
    %c0_i32_1 = arith.constant 0 : i32
    return %c0_i32, %c0_i32_0 : i32, i32
  }
  func.func @transform_3(%arg0: i32) -> (i32, i32) {
    %c0_i32 = arith.constant 0 : i32
    %c0_i32_0 = arith.constant 0 : i32
    %c0_i32_1 = arith.constant 0 : i32
    return %c0_i32, %c0_i32_0 : i32, i32
  }
  func.func @transform_4(%arg0: i32) -> (i32, i32) {
    %c0_i32 = arith.constant 0 : i32
    %c0_i32_0 = arith.constant 0 : i32
    %c0_i32_1 = arith.constant 0 : i32
    return %c0_i32, %c0_i32_0 : i32, i32
  }
  func.func @transform_5(%arg0: i32) -> (i32, i32, i32) {
    %c0_i32 = arith.constant 0 : i32
    %c0_i32_0 = arith.constant 0 : i32
    %c0_i32_1 = arith.constant 0 : i32
    return %c0_i32, %arg0, %c0_i32_0 : i32, i32, i32
  }
}

module attributes {stable_mosaic.version = 14 : i64} {
  func.func @_tc4_body(%arg0: i32, %arg1: memref<2x2000x128xf32, #tpu.memory_space<vmem>>, %arg2: memref<1x2000x128xf32, #tpu.memory_space<vmem>>, %arg3: memref<2000x8xf32, #tpu.memory_space<vmem>>, %arg4: memref<1x64xf32, #tpu.memory_space<vmem>>, %arg5: memref<2000x64xf32, #tpu.memory_space<vmem>>) attributes {dimension_semantics = [#tpu.dimension_semantics<arbitrary>], iteration_bounds = array<i64: 5>, scalar_prefetch = 0 : i64, scratch_operands = 0 : i64, tpu.core_type = #tpu.core_type<tc>, window_params = [{transform_indices = @transform_0, window_bounds = array<i64: 2, 2000, 128>}, {transform_indices = @transform_1, window_bounds = array<i64: 1, 2000, 128>}, {transform_indices = @transform_2, window_bounds = array<i64: 2000, 8>}, {pipeline_mode = #tpu.pipeline_mode<synchronous>, transform_indices = @transform_3, window_bounds = array<i64: 1, 64>}, {transform_indices = @transform_4, window_bounds = array<i64: 2000, 64>}]} {
    %get3A = arith.constant 0 : index
    %get3A_0 = arith.constant 0 : index
    %get3A_1 = vector.load %arg3[%get3A, %get3A_0] : memref<2000x8xf32, #tpu.memory_space<vmem>>, vector<2000x1xf32>
    %get3A_2 = arith.constant 0 : index
    %get3A_3 = arith.constant 0 : index
    %get3A_4 = arith.constant 0 : index
    %get3A_5 = vector.load %arg1[%get3A_2, %get3A_3, %get3A_4] : memref<2x2000x128xf32, #tpu.memory_space<vmem>>, vector<1x2000x64xf32>
    %get3A_6 = vector.shape_cast %get3A_5 : vector<1x2000x64xf32> to vector<2000x64xf32>
    %get3A_7 = arith.constant 1 : index
    %get3A_8 = arith.constant 0 : index
    %get3A_9 = arith.constant 0 : index
    %get3A_10 = vector.load %arg1[%get3A_7, %get3A_8, %get3A_9] : memref<2x2000x128xf32, #tpu.memory_space<vmem>>, vector<1x2000x64xf32>
    %get3A_11 = vector.shape_cast %get3A_10 : vector<1x2000x64xf32> to vector<2000x64xf32>
    %add3A = arith.addf %get3A_6, %get3A_11 : vector<2000x64xf32>
    %get3A_12 = arith.constant 0 : index
    %get3A_13 = arith.constant 0 : index
    %get3A_14 = arith.constant 0 : index
    %get3A_15 = vector.load %arg2[%get3A_12, %get3A_13, %get3A_14] : memref<1x2000x128xf32, #tpu.memory_space<vmem>>, vector<1x2000x64xf32>
    %get3A_16 = vector.shape_cast %get3A_15 : vector<1x2000x64xf32> to vector<2000x64xf32>
    %sub3A = arith.subf %add3A, %get3A_16 : vector<2000x64xf32>
    %mul3A = vector.broadcast %get3A_1 : vector<2000x1xf32> to vector<2000x64xf32>
    %mul3A_17 = arith.mulf %mul3A, %sub3A : vector<2000x64xf32>
    %get3A_18 = arith.constant 0 : index
    %get3A_19 = arith.constant 0 : index
    %get3A_20 = vector.load %arg4[%get3A_18, %get3A_19] : memref<1x64xf32, #tpu.memory_space<vmem>>, vector<1x64xf32>
    %add3A_21 = vector.broadcast %get3A_20 : vector<1x64xf32> to vector<2000x64xf32>
    %add3A_22 = arith.addf %mul3A_17, %add3A_21 : vector<2000x64xf32>
    %swap3A = arith.constant 0 : index
    %swap3A_23 = arith.constant 0 : index
    %swap3A_24 = vector.load %arg5[%swap3A, %swap3A_23] : memref<2000x64xf32, #tpu.memory_space<vmem>>, vector<2000x64xf32>
    tpu.vector_store %arg5[%swap3A, %swap3A_23], %add3A_22 {strides = array<i32>} : memref<2000x64xf32, #tpu.memory_space<vmem>>, vector<2000x64xf32>,
    return
  }
  func.func @transform_0(%arg0: i32) -> (i32, i32, i32) {
    %c0_i32 = arith.constant 0 : i32
    %c0_i32_0 = arith.constant 0 : i32
    %c0_i32_1 = arith.constant 0 : i32
    return %c0_i32, %arg0, %c0_i32_0 : i32, i32, i32
  }
  func.func @transform_1(%arg0: i32) -> (i32, i32, i32) {
    %c0_i32 = arith.constant 0 : i32
    %c0_i32_0 = arith.constant 0 : i32
    %c0_i32_1 = arith.constant 0 : i32
    return %c0_i32, %arg0, %c0_i32_0 : i32, i32, i32
  }
  func.func @transform_2(%arg0: i32) -> (i32, i32) {
    %c0_i32 = arith.constant 0 : i32
    %c0_i32_0 = arith.constant 0 : i32
    return %arg0, %c0_i32 : i32, i32
  }
  func.func @transform_3(%arg0: i32) -> (i32, i32) {
    %c0_i32 = arith.constant 0 : i32
    %c0_i32_0 = arith.constant 0 : i32
    %c0_i32_1 = arith.constant 0 : i32
    return %c0_i32, %c0_i32_0 : i32, i32
  }
  func.func @transform_4(%arg0: i32) -> (i32, i32) {
    %c0_i32 = arith.constant 0 : i32
    %c0_i32_0 = arith.constant 0 : i32
    return %arg0, %c0_i32 : i32, i32
  }
}

</mosaic_0001>

<sc_bundles>
// kernel: kernel.10.cloned.1.call-start
scs
__scs_entry_jumppad:
0x0: {  	(pc) =	sbr.rel $0x88, $3  }
0x1: {  	(tag) =	ssettag $0x0;
	lr =	simm.s32 $0x1  }
0x2: {  	[smem:$0x3F99] =	sst lr;
	_ =	strace $0xD0000000  }
0x3: {  	_ = 	snop  }
0x4: {  	_ = 	snop  }
0x5: {  	_ = 	snop  }
0x6: {  	_ = 	snop  }
0x7: {  	_ = 	snop  }
__scs_overlays_trampoline_lowered:
0x8: {  	[smem:$0x3FA8] =	sst s0  }
0x9: {  	[smem:$0x3FA9] =	sst s1  }
0xa: {  	[smem:$0x3FAA] =	sst s2  }
0xb: {  	[smem:$0x3FAB] =	sst s3  }
0xc: {  	[smem:$0x3FAC] =	sst s4  }
0xd: {  	[smem:$0x3FAD] =	sst s5  }
0xe: {  	[smem:$0x3FAE] =	sst s6  }
0xf: {  	[smem:$0x3FAF] =	sst s7  }
0x10: {  	[smem:$0x3FB0] =	sst s8  }
0x11: {  	[smem:$0x3FB1] =	sst s9;
	s0 =	simm.s32 @!p0 $0x0  }
0x12: {  	s1 =	sld [smem:$0x3F97];
	s0 =	simm.s32 @p0 $0x1  }
0x13: {  	[smem:$0x3FB2] =	sst s0;
	s0 =	simm.s32 @!p1 $0x0  }
0x14: {  	s2 =	sld [smem:$0x3F96];
	s0 =	simm.s32 @p1 $0x1  }
0x15: {  	[smem:$0x3FB3] =	sst s0;
	s0 =	simm.s32 @!p2 $0x0  }
0x16: {  	s3 =	sld [smem:$0x3FDB];
	s0 =	simm.s32 @p2 $0x1  }
0x17: {  	s4 =	simm.s32 $0x1BF5;
	[smem:$0x3FB5] =	sst s0  }
0x18: {  	s0 =	sld [smem:$0x3F98];
	_ =	swait.ge [sflag:s4], $0x0  }
0x19: {  	s7 =	sld [smem:$0x3F99]  }
0x1a: {  	s8 =	sadd.s32 $0xFFFFE003, lr  }
0x1b: {  	s9 =	sadd.s32 $0xFFFFFEF7, lr;
	s5 =	simm.s32 $0xFFFFFFFF;
	p2 =	slt.u32 s8, $0xFFFFF086  }
0x1c: {  	p1 =	slt.u32 s9, $0xF7A;
	s5 =	simm.s32 @!p2 $0x0  }
0x1d: {  	s5 =	simm.s32 @p1 $0x1;
	p0 =	seq.s32 s7, s2  }
0x1e: {  	s7 =	smul.u32 @!p0 $0xF7A, s2;
	p2 =	seq.s32 @!p0 s5, $0x0  }
0x1f: {  	s9 =	smul.u32 $0xF7A, s1;
	s8 =	simm.s32 @!p0 $0x1BF5;
	p2 =	por !p2, p0  }
0x20: {  	[sflag:s8] =	ssyncset.s32 @!p0 $0xFFFFF086;
	s6 =	sadd.s32 @!p0 s3, s7;
	s7 =	simm.s32 @!p0 $0x108  }
0x21: {  	s3 =	sadd.s32 s3, s9;
	s6 =	sadd.s32 @!p0 $0x88, s6;
	s7 =	simm.s32 @p2 $0x1082  }
0x22: {  	[simem:s7], [sflag:s8] =	dma.local @!p0 [hbm:s6], $0xF7A  }
0x23: {  	s9 =	sor.u32 $0xD0000000, s2;
	s6 =	simm.s32 $0x108;
	_ =	swait.ge @!p0 [sflag:s8], $0x0  }
0x24: {  	s3 =	sadd.s32 $0x88, s3;
	s6 =	simm.s32 @!p1 $0x1082;
	[sflag:s4] =	ssyncset.s32 $0xFFFFF086  }
0x25: {  	[simem:s6], [sflag:s4] =	dma.local [hbm:s3], $0xF7A  }
0x26: {  	[smem:$0x3F99] =	sst s1;
	(tag) =	ssettag s2;
	_ =	strace s9  }
0x27: {  	s1 =	sld [smem:$0x3FA9]  }
0x28: {  	s2 =	sld [smem:$0x3FAA]  }
0x29: {  	s4 =	sld [smem:$0x3FAC]  }
0x2a: {  	p0 =	seq.s32 s5, $0x0;
	s5 =	sld [smem:$0x3FAD]  }
0x2b: {  	s6 =	sld [smem:$0x3FAE]  }
0x2c: {  	s7 =	sld [smem:$0x3FAF]  }
0x2d: {  	s3 =	simm.s32 $0x108;
	s8 =	sld [smem:$0x3FB0]  }
0x2e: {  	s3 =	simm.s32 @!p0 $0x1082;
	s9 =	sld [smem:$0x3FB1]  }
0x2f: {  	lr =	sadd.s32 s0, s3;
	s0 =	sld [smem:$0x3FA8]  }
0x30: {  	s3 =	sld [smem:$0x3FAB]  }
0x31: {  	[smem:$0x3FB4] =	sst s10  }
0x32: {  	s10 =	sld [smem:$0x3FB2];
	_ =	sdelay $0x3  }
0x33: {  	p0 =	seq.s32 s10, $0x1;
	s10 =	sld [smem:$0x3FB4];
	_ =	sdelay $0x3  }
0x34: {  	[smem:$0x3FB4] =	sst s10  }
0x35: {  	s10 =	sld [smem:$0x3FB3];
	_ =	sdelay $0x3  }
0x36: {  	p1 =	seq.s32 s10, $0x1;
	s10 =	sld [smem:$0x3FB4];
	_ =	sdelay $0x3  }
0x37: {  	[smem:$0x3FB4] =	sst s10  }
0x38: {  	s10 =	sld [smem:$0x3FB5]  }
0x39: {  	_ = 	snop;
	(pc) =	sbr.ind lr, $3  }
0x3a: {  	_ = 	snop  }
0x3b: {  	_ = 	snop  }
0x3c: {  	p2 =	seq.s32 s10, $0x1;
	s10 =	sld [smem:$0x3FB4]  }
0x3d: {  	_ =	shalt  }
0x3e: {  	_ =	shalt  }
0x3f: {  	_ =	shalt  }
0x40: {  	_ =	shalt  }
0x41: {  	_ =	shalt  }
0x42: {  	_ =	shalt  }
0x43: {  	_ =	shalt  }
0x44: {  	_ =	shalt  }
0x45: {  	_ =	shalt  }
0x46: {  	_ =	shalt  }
0x47: {  	_ =	shalt  }
0x48: {  	_ =	shalt  }
0x49: {  	_ =	shalt  }
0x4a: {  	_ =	shalt  }
0x4b: {  	_ =	shalt  }
0x4c: {  	_ =	shalt  }
0x4d: {  	_ =	shalt  }
0x4e: {  	_ =	shalt  }
0x4f: {  	_ =	shalt  }
0x50: {  	_ =	shalt  }
0x51: {  	_ =	shalt  }
0x52: {  	_ =	shalt  }
0x53: {  	_ =	shalt  }
0x54: {  	_ =	shalt  }
0x55: {  	_ =	shalt  }
0x56: {  	_ =	shalt  }
0x57: {  	_ =	shalt  }
0x58: {  	_ =	shalt  }
0x59: {  	_ =	shalt  }
0x5a: {  	_ =	shalt  }
0x5b: {  	_ =	shalt  }
0x5c: {  	_ =	shalt  }
0x5d: {  	_ =	shalt  }
0x5e: {  	_ =	shalt  }
0x5f: {  	_ =	shalt  }
0x60: {  	_ =	shalt  }
0x61: {  	_ =	shalt  }
0x62: {  	_ =	shalt  }
0x63: {  	_ =	shalt  }
0x64: {  	_ =	shalt  }
0x65: {  	_ =	shalt  }
0x66: {  	_ =	shalt  }
0x67: {  	_ =	shalt  }
0x68: {  	_ =	shalt  }
0x69: {  	_ =	shalt  }
0x6a: {  	_ =	shalt  }
0x6b: {  	_ =	shalt  }
0x6c: {  	_ =	shalt  }
0x6d: {  	_ =	shalt  }
0x6e: {  	_ =	shalt  }
0x6f: {  	_ =	shalt  }
0x70: {  	_ =	shalt  }
0x71: {  	_ =	shalt  }
0x72: {  	_ =	shalt  }
0x73: {  	_ =	shalt  }
0x74: {  	_ =	shalt  }
0x75: {  	_ =	shalt  }
0x76: {  	_ =	shalt  }
0x77: {  	_ =	shalt  }
0x78: {  	_ =	shalt  }
0x79: {  	_ =	shalt  }
0x7a: {  	_ =	shalt  }
0x7b: {  	_ =	shalt  }
0x7c: {  	_ =	shalt  }
0x7d: {  	_ =	shalt  }
0x7e: {  	_ =	shalt  }
0x7f: {  	_ =	shalt  }
0x80: {  	_ =	shalt  }
0x81: {  	_ =	shalt  }
0x82: {  	_ =	shalt  }
0x83: {  	_ =	shalt  }
0x84: {  	_ =	shalt  }
0x85: {  	_ =	shalt  }
0x86: {  	_ =	shalt  }
0x87: {  	_ =	shalt  }
.Lfunc_end0:
.L_simem_size_0:
called_computation_lowered:
.L_overlay_start_0:
0x88: {  	s2 =	sld [smem:$0x3FD9]  }
0x89: {  	s3 =	sld [smem:$0x3FFE];
	_ =	sdelay $0x1  }
0x8a: {  	s1 =	srdreg.scid  }
0x8b: {  	s0 =	sand.u32 $0x1, s1  }
0x8c: {  	s17 =	sshll.u32 s0, $0xA;
	s2 =	sadd.s32 s3, s2  }
0x8d: {  	s2 =	sadd.s32 s2, s17  }
0x8e: {  	[smem:$0x3FC0] =	sst s2  }
0x8f: {  	_ = 	snop  }
0x90: {  	s2 =	sld [smem:$0x3FD0];
	(tm) =	ssettm $0x1  }
0x91: {  	s18 =	sld [smem:$0x3FFB];
	_ =	sdelay $0x3  }
0x92: {  	_ =	strace s18  }
0x93: {  	s3 =	sld [smem:$0x3FFC];
	_ =	sdelay $0x3  }
0x94: {  	_ =	strace s3  }
0x95: {  	s3 =	sld [smem:$0x3FFD];
	_ =	sdelay $0x3  }
0x96: {  	_ =	strace s3  }
0x97: {  	_ =	strace $0x8FFFFFFF  }
0x98: {  	s19 =	sld [smem:$0x3FDB];
	_ =	sdelay $0x1  }
0x99: {  	s4 =	simm.s32 $_scs_section_size  }
0x9a: {  	s5 =	simm.s32 $_size__tile_overlayer_lowered;
	s6 =	simm.s32 $_tile_overlayer_lowered  }
0x9b: {  	s22 =	simm.s32 $0x1BFF;
	s21 =	sshll.u32 s6, $0x1;
	s3 =	sadd.s32 s4, s19  }
0x9c: {  	s7 =	simm.s32 $0x0;
	s20 =	sshll.u32 s5, $0x1;
	s5 =	sadd.s32 s21, s3  }
0x9d: {  	[timem:s7], [sflag:s22] =	dma.local [hbm:s5], s20  }
0x9e: {  	_ =	swait.ge [sflag:s22], s20  }
0x9f: {  	s4 =	ssub.s32 $0x0, s20;
	[sflag:s22] =	ssyncset.done $0x0  }
0xa0: {  	[sflag:s22] =	ssyncadd.s32 s4;
	_ =	sdelay $0x1  }
0xa1: {  	s23 =	simm.s32 $0x1B8B  }
0xa2: {  	_ =	swait.ge [sflag:s23], $0x1  }
0xa3: {  	[sflag:s23] =	ssyncset.done $0x0  }
0xa4: {  	s25 =	simm.s32 $0x1B8E;
	s24 =	sld [smem:$0x3FFE];
	[sflag:s23] =	ssyncadd.s32 $0xFFFFFFFF  }
0xa5: {  	s26 =	simm.s32 $execute0_lowered;
	[smem:$0x3FD2] =	sst s25  }
0xa6: {  	s5 =	sshll.u32 s26, $0x1;
	_ =	strace $0x80000046;
	[dreg:$0x1] =	wrdreg $0xFFFFFFFF  }
0xa7: {  	s28 =	simm.s32 $_size_execute0_lowered;
	s3 =	sadd.s32 s3, s5;
	[dreg:$0x0] =	wrdreg $0x0  }
0xa8: {  	s5 =	sshll.u32 s28, $0x1;
	[dreg:$0x2] =	wrdreg s3  }
0xa9: {  	[dreg:$0x3] =	wrdreg s5  }
0xaa: {  	[dreg:$0x4] =	wrdreg $0xC0  }
0xab: {  	_ =	task [dreg:s7], $0x5FFFF  }
0xac: {  	[dreg:$0x1] =	wrdreg $0xFFFFFFFF  }
0xad: {  	[dreg:$0x0] =	wrdreg $0x60  }
0xae: {  	[dreg:$0x2] =	wrdreg s24  }
0xaf: {  	[dreg:$0x3] =	wrdreg s2  }
0xb0: {  	[dreg:$0x4] =	wrdreg $0x68000  }
0xb1: {  	[dreg:$0x5] =	wrdreg $0x9  }
0xb2: {  	_ =	task.clear_ibuf [dreg:s7], $0x6FFFF;
	_ =	strace $0x90000046  }
0xb3: {  	s29 =	simm.s32 $0x9;
	_ =	strace $0x80000048  }
0xb4: {  	_ =	swait.ge [sflag:s29], $0x1  }
0xb5: {  	[sflag:s29] =	ssyncadd.s32 $0xFFFFFFFF  }
0xb6: {  	_ =	strace $0x90000048  }
0xb7: {  	_ =	sfence  }
0xb8: {  	s30 =	sld [smem:$0x0];
	_ =	sdelay $0x2  }
0xb9: {  	s31 =	sshll.u32 s1, $0xD;
	s1 =	sshrl.u32 s1, $0x2  }
0xba: {  	s3 =	sand.u32 $0x4000, s31;
	s1 =	sadd.s32 s1, s30  }
0xbb: {  	s0 =	sor.u32 s3, s0;
	s1 =	sshll.u32 s1, $0x11  }
0xbc: {  	s0 =	sor.u32 s1, s0  }
0xbd: {  	s0 =	sadd.s32 $0x8F2B, s0  }
0xbe: {  	[sflag:s0] =	ssyncadd.remote.s32 $0x1  }
0xbf: {  	_ =	sfence.sel $0xFFFF  }
0xc0: {  	[dreg:$0x0] =	wrdreg $0xFFFFFFFF;
	(pc) =	sbr.abs _section_cstart, $3  }
0xc1: {  	[dreg:$0x1] =	wrdreg $0xFFFFFFFF  }
0xc2: {  	_ =	task.clear_ibuf [dreg:s7], $0x2FFFF;
	_ =	strace $0x9FFFFFFF  }
0xc3: {  	(tm) =	ssettm $0x7FFFFFFF  }
tec
execute0_lowered:
.L_overlay_start_1:
0x0: {  	(tag) =	ssettag $0x1  }
0x1: {  	s5 =	rddreg [dreg:$0x0]  }
0x2: {  	s6 =	rddreg [dreg:$0x1]  }
0x3: {  	s1 =	rddreg [dreg:$0x2];
	s2 =	srdreg.scid  }
0x4: {  	s0 =	rddreg [dreg:$0x3];
	s3 =	simm.s32 $0x0;
	s13 =	simm.s32 $0x80  }
0x5: {  	s14 =	simm.s32 $0x2800;
	s15 =	simm.s32 $0x1;
	s7 =	sand.u32 $0x1, s2  }
0x6: {  	s16 =	simm.s32 $0x2;
	s2 =	stileid.u32;
	s9 =	smul.u32 $0x28000, s7  }
0x7: {  	[smem:$0x7FF] =	sst s3;
	s4 =	sshll.u32 s7, $0x4;
	s12 =	smul.u32 $0x50000, s2  }
0x8: {  	_ =	strace $0x80000047;
	s7 =	ssub.s32 $0x2, s7;
	s17 =	smul.u32 $0x2800, s2  }
0x9: {  	s31 =	sshll.u32 s2, $0x6;
	s4 =	sor.u32 s2, s4;
	s11 =	sshrl.u32 s7, $0x1  }
0xa: {  	s8 =	smul.u32 $0x280, s4;
	s4 =	sadd.s32 $0x7A00, s5;
	s30 =	sshrl.u32 s12, $0x2  }
0xb: {  	s9 =	sadd.s32 s9, s5;
	s11 =	ssub.s32 s7, s11;
	s12 =	sadd.s32 s30, s1  }
0xc: {  	s7 =	sadd.s32 s4, s17;
	s18 =	sadd.s32 $0x2FA00, s9;
	s9 =	simm.s32 $0x3  }
0xd: {  	s10 =	sadd.s32 s8, s5;
	s5 =	sadd.s32 s6, s8;
	s8 =	smax.u32 s11, $0x1  }
0xe: {  	s11 =	sor.u32 $0x1C03, s31;
	s12 =	sshrl.u32 s12, $0x3;
	s17 =	sadd.s32 s17, s18  }
0xf: {  	s18 =	simm.s32 $0x0;
	s6 =	sadd.s32 $0x2A00, s10;
	s10 =	simm.s32 $0x1400  }
.LBB2_1:
0x10: {  	[tilespmem:s3], [sflag:$0x3] =	stream.linear.gather [hbm4b:s5+s3], $0x1400, $0x38;
	[tilespmem:$0x1A800] =	vst v63  }
0x11: {  	_ =	swait.ge [sflag:s9], $0x1400  }
0x12: {  	[sflag:s9] =	ssyncset.done $0x0  }
0x13: {  	[sflag:s9] =	ssyncadd.s32 $0xFFFFEC00  }
0x14: {  	[tilespmem:s10], [sflag:$0x3] =	stream.linear.gather [hbm4b:s6+s3], $0x1400, $0x38;
	[tilespmem:$0x1A800] =	vst v63  }
0x15: {  	_ =	swait.ge [sflag:s9], $0x1400  }
0x16: {  	[sflag:s9] =	ssyncset.done $0x0  }
0x17: {  	[sflag:s9] =	ssyncadd.s32 $0xFFFFEC00  }
0x18: {  	[spmem:s12], [sflag:s11] =	dma.local [hbm:s7], $0x2800  }
0x19: {  	_ =	swait.ge [sflag:s9], $0x2800  }
0x1a: {  	[sflag:s9] =	ssyncset.done $0x0  }
0x1b: {  	[sflag:s9] =	ssyncadd.s32 $0xFFFFD800  }
0x1c: {  	s19 =	simm.s32 $0x0;
	[bflag:$0x0] =	sbarrier.arrive $0xFFFF  }
0x1d: {  	[tilespmem:s14], [sflag:$0x1] =	stream.indirect.gather [hbm4b:s4+s13], $0x80, s19, s13, $0xb8;
	[tilespmem:$0x1A800] =	vst v63  }
0x1e: {  	_ =	swait.ge [sflag:s15], $0x4000  }
0x1f: {  	[sflag:s15] =	ssyncset.done $0x0  }
0x20: {  	s31 =	simm.s32 $0x1400;
	[sflag:s15] =	ssyncadd.s32 $0xFFFFC000  }
0x21: {  	[spmem:s1] =	stream.indirect.scatter.add.f32 [tilespmem:s14], [sflag:$0x2], $0x80, s31, s13, $0xb8;
	[tilespmem:$0x1A800] =	vst v63  }
0x22: {  	_ =	swait.ge [sflag:s16], $0x4000  }
0x23: {  	s20 =	simm.s32 $0x400;
	s19 =	simm.s32 $0x200;
	[sflag:s16] =	ssyncset.done $0x0  }
.LBB2_2:
0x24: {  	s21 =	sshra.s32 s19, $0x2  }
0x25: {  	[sflag:s16] =	ssyncadd.s32 $0xFFFFC000;
	s19 =	smov.u32 s20;
	s22 =	sadd.s32 $0x200, s20  }
0x26: {  	[tilespmem:s14], [sflag:$0x1] =	stream.indirect.gather [hbm4b:s4+s13], $0x80, s21, s13, $0xb8;
	[tilespmem:$0x1A800] =	vst v63  }
0x27: {  	p0 =	sne.s32 s20, $0x4E00;
	_ =	swait.ge [sflag:s15], $0x4000  }
.Ltmp0:
0x28: {  	[sflag:s15] =	ssyncset.done $0x0;
	(pc) =	sbr.rel @p0 .LBB2_2-.Ltmp0, $4  }
0x29: {  	s20 =	sadd.s32 $0x1400, s21;
	[sflag:s15] =	ssyncadd.s32 $0xFFFFC000  }
0x2a: {  	[spmem:s1] =	stream.indirect.scatter.add.f32 [tilespmem:s14], [sflag:$0x2], $0x80, s20, s13, $0xb8;
	[tilespmem:$0x1A800] =	vst v63  }
0x2b: {  	_ =	swait.ge [sflag:s16], $0x4000  }
0x2c: {  	s20 =	smov.u32 s22;
	[sflag:s16] =	ssyncset.done $0x0  }
0x2d: {  	s19 =	sshra.s32 s19, $0x2;
	[sflag:s16] =	ssyncadd.s32 $0xFFFFC000  }
0x2e: {  	[tilespmem:s14], [sflag:$0x1] =	stream.indirect.gather [hbm4b:s4+s13], $0x80, s19, s13, $0xb8;
	[tilespmem:$0x1A800] =	vst v63  }
0x2f: {  	_ =	swait.ge [sflag:s15], $0x4000  }
0x30: {  	[sflag:s15] =	ssyncset.done $0x0  }
0x31: {  	s19 =	sadd.s32 $0x1400, s19;
	[sflag:s15] =	ssyncadd.s32 $0xFFFFC000  }
0x32: {  	[spmem:s1] =	stream.indirect.scatter.add.f32 [tilespmem:s14], [sflag:$0x2], $0x80, s19, s13, $0xb8;
	[tilespmem:$0x1A800] =	vst v63  }
0x33: {  	_ =	swait.ge [sflag:s16], $0x4000  }
0x34: {  	s18 =	sadd.s32 $0x1, s18;
	[sflag:s16] =	ssyncset.done $0x0  }
0x35: {  	p0 =	sne.s32 s18, s8;
	[sflag:s16] =	ssyncadd.s32 $0xFFFFC000  }
.Ltmp1:
0x36: {  	[bflag:$0x0] =	sbarrier.arrive $0xFFFF;
	(pc) =	sbr.rel @p0 .LBB2_1-.Ltmp1, $4  }
0x37: {  	[hbm:s17], [sflag:s11] =	dma.local [spmem:s12], $0x2800  }
0x38: {  	_ =	swait.ge [sflag:s9], $0x2800  }
0x39: {  	[sflag:s9] =	ssyncset.done $0x0  }
0x3a: {  	[sflag:s9] =	ssyncadd.s32 $0xFFFFD800  }
0x3b: {  	_ =	sfence.sel $0x180000  }
0x3c: {  	[bflag:$0x0] =	sbarrier.arrive $0xFFFF  }
0x3d: {  	p0 =	sne.s32 s2, $0x0;
	_ =	strace $0x90000047  }
0x3e: {  	s0 =	sadd.s32 @!p0 $0x100000, s0;
	[bflag:$0x2] =	sbarrier.arrive $0xFFFF  }
0x3f: {  	[sflag:s0] =	ssyncadd.tile.s32 @!p0 $0x1;
	_ =	shalt  }
.Lfunc_end2:
_tile_overlayer_lowered:
.L_overlay_start_2:
0x40: {  	(tag) =	ssettag $0x2  }
0x41: {  	s0 =	rddreg [dreg:$0x0];
	s2 =	stileid.u32  }
0x42: {  	s1 =	rddreg [dreg:$0x1];
	p0 =	sne.s32 s2, $0x0  }
0x43: {  	s3 =	rddreg [dreg:$0x2];
	[bflag:$0x3] =	sbarrier.arrive $0xFFFF;
	s2 =	simm.s32 @!p0 $0x1C03  }
0x44: {  	[timem:s3], [sflag:s2] =	dma.local @!p0 [hbm:s0], s1  }
0x45: {  	s0 =	simm.s32 @!p0 $0x3  }
0x46: {  	_ =	swait.ge @!p0 [sflag:s0], s1  }
0x47: {  	s1 =	ssub.s32 @!p0 $0x0, s1;
	[sflag:s0] =	ssyncset.done @!p0 $0x0  }
0x48: {  	[sflag:s0] =	ssyncadd.s32 @!p0 s1  }
0x49: {  	[bflag:$0x3] =	sbarrier.arrive $0xFFFF  }
0x4a: {  	_ =	shalt  }

// kernel: kernel.13.cloned.1.call-start
scs
__scs_entry_jumppad:
0x0: {  	(pc) =	sbr.rel $0x88, $3  }
0x1: {  	(tag) =	ssettag $0x0;
	lr =	simm.s32 $0x1  }
0x2: {  	[smem:$0x3F99] =	sst lr;
	_ =	strace $0xD0000000  }
0x3: {  	_ = 	snop  }
0x4: {  	_ = 	snop  }
0x5: {  	_ = 	snop  }
0x6: {  	_ = 	snop  }
0x7: {  	_ = 	snop  }
__scs_overlays_trampoline_lowered:
0x8: {  	[smem:$0x3FA8] =	sst s0  }
0x9: {  	[smem:$0x3FA9] =	sst s1  }
0xa: {  	[smem:$0x3FAA] =	sst s2  }
0xb: {  	[smem:$0x3FAB] =	sst s3  }
0xc: {  	[smem:$0x3FAC] =	sst s4  }
0xd: {  	[smem:$0x3FAD] =	sst s5  }
0xe: {  	[smem:$0x3FAE] =	sst s6  }
0xf: {  	[smem:$0x3FAF] =	sst s7  }
0x10: {  	[smem:$0x3FB0] =	sst s8  }
0x11: {  	[smem:$0x3FB1] =	sst s9;
	s0 =	simm.s32 @!p0 $0x0  }
0x12: {  	s1 =	sld [smem:$0x3F97];
	s0 =	simm.s32 @p0 $0x1  }
0x13: {  	[smem:$0x3FB2] =	sst s0;
	s0 =	simm.s32 @!p1 $0x0  }
0x14: {  	s2 =	sld [smem:$0x3F96];
	s0 =	simm.s32 @p1 $0x1  }
0x15: {  	[smem:$0x3FB3] =	sst s0;
	s0 =	simm.s32 @!p2 $0x0  }
0x16: {  	s3 =	sld [smem:$0x3FDB];
	s0 =	simm.s32 @p2 $0x1  }
0x17: {  	s4 =	simm.s32 $0x1BF5;
	[smem:$0x3FB5] =	sst s0  }
0x18: {  	s0 =	sld [smem:$0x3F98];
	_ =	swait.ge [sflag:s4], $0x0  }
0x19: {  	s7 =	sld [smem:$0x3F99]  }
0x1a: {  	s8 =	sadd.s32 $0xFFFFE003, lr  }
0x1b: {  	s9 =	sadd.s32 $0xFFFFFEF7, lr;
	s5 =	simm.s32 $0xFFFFFFFF;
	p2 =	slt.u32 s8, $0xFFFFF086  }
0x1c: {  	p1 =	slt.u32 s9, $0xF7A;
	s5 =	simm.s32 @!p2 $0x0  }
0x1d: {  	s5 =	simm.s32 @p1 $0x1;
	p0 =	seq.s32 s7, s2  }
0x1e: {  	s7 =	smul.u32 @!p0 $0xF7A, s2;
	p2 =	seq.s32 @!p0 s5, $0x0  }
0x1f: {  	s9 =	smul.u32 $0xF7A, s1;
	s8 =	simm.s32 @!p0 $0x1BF5;
	p2 =	por !p2, p0  }
0x20: {  	[sflag:s8] =	ssyncset.s32 @!p0 $0xFFFFF086;
	s6 =	sadd.s32 @!p0 s3, s7;
	s7 =	simm.s32 @!p0 $0x108  }
0x21: {  	s3 =	sadd.s32 s3, s9;
	s6 =	sadd.s32 @!p0 $0x88, s6;
	s7 =	simm.s32 @p2 $0x1082  }
0x22: {  	[simem:s7], [sflag:s8] =	dma.local @!p0 [hbm:s6], $0xF7A  }
0x23: {  	s9 =	sor.u32 $0xD0000000, s2;
	s6 =	simm.s32 $0x108;
	_ =	swait.ge @!p0 [sflag:s8], $0x0  }
0x24: {  	s3 =	sadd.s32 $0x88, s3;
	s6 =	simm.s32 @!p1 $0x1082;
	[sflag:s4] =	ssyncset.s32 $0xFFFFF086  }
0x25: {  	[simem:s6], [sflag:s4] =	dma.local [hbm:s3], $0xF7A  }
0x26: {  	[smem:$0x3F99] =	sst s1;
	(tag) =	ssettag s2;
	_ =	strace s9  }
0x27: {  	s1 =	sld [smem:$0x3FA9]  }
0x28: {  	s2 =	sld [smem:$0x3FAA]  }
0x29: {  	s4 =	sld [smem:$0x3FAC]  }
0x2a: {  	p0 =	seq.s32 s5, $0x0;
	s5 =	sld [smem:$0x3FAD]  }
0x2b: {  	s6 =	sld [smem:$0x3FAE]  }
0x2c: {  	s7 =	sld [smem:$0x3FAF]  }
0x2d: {  	s3 =	simm.s32 $0x108;
	s8 =	sld [smem:$0x3FB0]  }
0x2e: {  	s3 =	simm.s32 @!p0 $0x1082;
	s9 =	sld [smem:$0x3FB1]  }
0x2f: {  	lr =	sadd.s32 s0, s3;
	s0 =	sld [smem:$0x3FA8]  }
0x30: {  	s3 =	sld [smem:$0x3FAB]  }
0x31: {  	[smem:$0x3FB4] =	sst s10  }
0x32: {  	s10 =	sld [smem:$0x3FB2];
	_ =	sdelay $0x3  }
0x33: {  	p0 =	seq.s32 s10, $0x1;
	s10 =	sld [smem:$0x3FB4];
	_ =	sdelay $0x3  }
0x34: {  	[smem:$0x3FB4] =	sst s10  }
0x35: {  	s10 =	sld [smem:$0x3FB3];
	_ =	sdelay $0x3  }
0x36: {  	p1 =	seq.s32 s10, $0x1;
	s10 =	sld [smem:$0x3FB4];
	_ =	sdelay $0x3  }
0x37: {  	[smem:$0x3FB4] =	sst s10  }
0x38: {  	s10 =	sld [smem:$0x3FB5]  }
0x39: {  	_ = 	snop;
	(pc) =	sbr.ind lr, $3  }
0x3a: {  	_ = 	snop  }
0x3b: {  	_ = 	snop  }
0x3c: {  	p2 =	seq.s32 s10, $0x1;
	s10 =	sld [smem:$0x3FB4]  }
0x3d: {  	_ =	shalt  }
0x3e: {  	_ =	shalt  }
0x3f: {  	_ =	shalt  }
0x40: {  	_ =	shalt  }
0x41: {  	_ =	shalt  }
0x42: {  	_ =	shalt  }
0x43: {  	_ =	shalt  }
0x44: {  	_ =	shalt  }
0x45: {  	_ =	shalt  }
0x46: {  	_ =	shalt  }
0x47: {  	_ =	shalt  }
0x48: {  	_ =	shalt  }
0x49: {  	_ =	shalt  }
0x4a: {  	_ =	shalt  }
0x4b: {  	_ =	shalt  }
0x4c: {  	_ =	shalt  }
0x4d: {  	_ =	shalt  }
0x4e: {  	_ =	shalt  }
0x4f: {  	_ =	shalt  }
0x50: {  	_ =	shalt  }
0x51: {  	_ =	shalt  }
0x52: {  	_ =	shalt  }
0x53: {  	_ =	shalt  }
0x54: {  	_ =	shalt  }
0x55: {  	_ =	shalt  }
0x56: {  	_ =	shalt  }
0x57: {  	_ =	shalt  }
0x58: {  	_ =	shalt  }
0x59: {  	_ =	shalt  }
0x5a: {  	_ =	shalt  }
0x5b: {  	_ =	shalt  }
0x5c: {  	_ =	shalt  }
0x5d: {  	_ =	shalt  }
0x5e: {  	_ =	shalt  }
0x5f: {  	_ =	shalt  }
0x60: {  	_ =	shalt  }
0x61: {  	_ =	shalt  }
0x62: {  	_ =	shalt  }
0x63: {  	_ =	shalt  }
0x64: {  	_ =	shalt  }
0x65: {  	_ =	shalt  }
0x66: {  	_ =	shalt  }
0x67: {  	_ =	shalt  }
0x68: {  	_ =	shalt  }
0x69: {  	_ =	shalt  }
0x6a: {  	_ =	shalt  }
0x6b: {  	_ =	shalt  }
0x6c: {  	_ =	shalt  }
0x6d: {  	_ =	shalt  }
0x6e: {  	_ =	shalt  }
0x6f: {  	_ =	shalt  }
0x70: {  	_ =	shalt  }
0x71: {  	_ =	shalt  }
0x72: {  	_ =	shalt  }
0x73: {  	_ =	shalt  }
0x74: {  	_ =	shalt  }
0x75: {  	_ =	shalt  }
0x76: {  	_ =	shalt  }
0x77: {  	_ =	shalt  }
0x78: {  	_ =	shalt  }
0x79: {  	_ =	shalt  }
0x7a: {  	_ =	shalt  }
0x7b: {  	_ =	shalt  }
0x7c: {  	_ =	shalt  }
0x7d: {  	_ =	shalt  }
0x7e: {  	_ =	shalt  }
0x7f: {  	_ =	shalt  }
0x80: {  	_ =	shalt  }
0x81: {  	_ =	shalt  }
0x82: {  	_ =	shalt  }
0x83: {  	_ =	shalt  }
0x84: {  	_ =	shalt  }
0x85: {  	_ =	shalt  }
0x86: {  	_ =	shalt  }
0x87: {  	_ =	shalt  }
.Lfunc_end0:
.L_simem_size_0:
called_computation.1_lowered:
.L_overlay_start_0:
0x88: {  	s2 =	sld [smem:$0x3FD9]  }
0x89: {  	s3 =	sld [smem:$0x3FFE];
	_ =	sdelay $0x1  }
0x8a: {  	s1 =	srdreg.scid  }
0x8b: {  	s0 =	sand.u32 $0x1, s1  }
0x8c: {  	s16 =	sshll.u32 s0, $0xA;
	s2 =	sadd.s32 s3, s2  }
0x8d: {  	s2 =	sadd.s32 s2, s16  }
0x8e: {  	[smem:$0x3FC0] =	sst s2  }
0x8f: {  	_ = 	snop  }
0x90: {  	(tm) =	ssettm $0x1  }
0x91: {  	s17 =	sld [smem:$0x3FFB];
	_ =	sdelay $0x3  }
0x92: {  	_ =	strace s17  }
0x93: {  	s2 =	sld [smem:$0x3FFC];
	_ =	sdelay $0x3  }
0x94: {  	_ =	strace s2  }
0x95: {  	s2 =	sld [smem:$0x3FFD];
	_ =	sdelay $0x3  }
0x96: {  	_ =	strace s2  }
0x97: {  	_ =	strace $0x8FFFFFFF  }
0x98: {  	s18 =	sld [smem:$0x3FDB];
	_ =	sdelay $0x1  }
0x99: {  	s19 =	simm.s32 $_scs_section_size  }
0x9a: {  	s4 =	simm.s32 $_size__tile_overlayer_lowered;
	s5 =	simm.s32 $_tile_overlayer_lowered  }
0x9b: {  	s22 =	simm.s32 $0x1BFF;
	s21 =	sshll.u32 s5, $0x1;
	s2 =	sadd.s32 s19, s18  }
0x9c: {  	s6 =	simm.s32 $0x0;
	s20 =	sshll.u32 s4, $0x1;
	s4 =	sadd.s32 s21, s2  }
0x9d: {  	[timem:s6], [sflag:s22] =	dma.local [hbm:s4], s20  }
0x9e: {  	_ =	swait.ge [sflag:s22], s20  }
0x9f: {  	s3 =	ssub.s32 $0x0, s20;
	[sflag:s22] =	ssyncset.done $0x0  }
0xa0: {  	[sflag:s22] =	ssyncadd.s32 s3;
	_ =	sdelay $0x1  }
0xa1: {  	s23 =	simm.s32 $0x1B8B  }
0xa2: {  	_ =	swait.ge [sflag:s23], $0x1  }
0xa3: {  	[sflag:s23] =	ssyncset.done $0x0  }
0xa4: {  	s25 =	simm.s32 $0x1B8E;
	s24 =	sld [smem:$0x3FFE];
	[sflag:s23] =	ssyncadd.s32 $0xFFFFFFFF  }
0xa5: {  	s26 =	simm.s32 $execute0_lowered;
	[smem:$0x3FD2] =	sst s25  }
0xa6: {  	s4 =	sshll.u32 s26, $0x1;
	_ =	strace $0x80000049;
	[dreg:$0x1] =	wrdreg $0xFFFFFFFF  }
0xa7: {  	s28 =	simm.s32 $_size_execute0_lowered;
	s2 =	sadd.s32 s2, s4;
	[dreg:$0x0] =	wrdreg $0x0  }
0xa8: {  	s4 =	sshll.u32 s28, $0x1;
	[dreg:$0x2] =	wrdreg s2  }
0xa9: {  	[dreg:$0x3] =	wrdreg s4  }
0xaa: {  	[dreg:$0x4] =	wrdreg $0xC0  }
0xab: {  	_ =	task [dreg:s6], $0x5FFFF  }
0xac: {  	[dreg:$0x1] =	wrdreg $0xFFFFFFFF  }
0xad: {  	[dreg:$0x0] =	wrdreg $0x60  }
0xae: {  	[dreg:$0x2] =	wrdreg s24  }
0xaf: {  	[dreg:$0x3] =	wrdreg $0x90000  }
0xb0: {  	[dreg:$0x4] =	wrdreg $0x9  }
0xb1: {  	_ =	task.clear_ibuf [dreg:s6], $0x5FFFF;
	_ =	strace $0x90000049  }
0xb2: {  	s29 =	simm.s32 $0x9;
	_ =	strace $0x8000004B  }
0xb3: {  	_ =	swait.ge [sflag:s29], $0x1  }
0xb4: {  	[sflag:s29] =	ssyncadd.s32 $0xFFFFFFFF  }
0xb5: {  	_ =	strace $0x9000004B  }
0xb6: {  	_ =	sfence  }
0xb7: {  	s30 =	sld [smem:$0x0];
	_ =	sdelay $0x2  }
0xb8: {  	s31 =	sshll.u32 s1, $0xD;
	s1 =	sshrl.u32 s1, $0x2  }
0xb9: {  	s3 =	sand.u32 $0x4000, s31;
	s1 =	sadd.s32 s1, s30  }
0xba: {  	s0 =	sor.u32 s3, s0;
	s1 =	sshll.u32 s1, $0x11  }
0xbb: {  	s0 =	sor.u32 s1, s0  }
0xbc: {  	s0 =	sadd.s32 $0x8F2B, s0  }
0xbd: {  	[sflag:s0] =	ssyncadd.remote.s32 $0x1  }
0xbe: {  	_ =	sfence.sel $0xFFFF  }
0xbf: {  	[dreg:$0x0] =	wrdreg $0xFFFFFFFF;
	(pc) =	sbr.abs _section_cstart, $3  }
0xc0: {  	[dreg:$0x1] =	wrdreg $0xFFFFFFFF  }
0xc1: {  	_ =	task.clear_ibuf [dreg:s6], $0x2FFFF;
	_ =	strace $0x9FFFFFFF  }
0xc2: {  	(tm) =	ssettm $0x7FFFFFFF  }
0xc3: {  	_ =	shalt  }
tec
execute0_lowered:
.L_overlay_start_1:
0x0: {  	(tag) =	ssettag $0x1  }
0x1: {  	s4 =	rddreg [dreg:$0x0]  }
0x2: {  	s2 =	rddreg [dreg:$0x1]  }
0x3: {  	s0 =	rddreg [dreg:$0x2];
	s1 =	stileid.u32  }
0x4: {  	s5 =	srdreg.scid;
	s3 =	simm.s32 $0x0;
	s13 =	simm.s32 $0x80  }
0x5: {  	s14 =	simm.s32 $0x5000;
	s15 =	simm.s32 $0x1;
	s6 =	smul.u32 $0x500, s1  }
0x6: {  	s16 =	simm.s32 $0x2;
	s5 =	sand.u32 $0x1, s5;
	s8 =	smul.u32 $0x50000, s1  }
0x7: {  	[smem:$0x7FF] =	sst s3;
	s17 =	smul.u32 $0x2800, s1;
	s11 =	sshll.u32 s1, $0x6  }
0x8: {  	s7 =	smul.u32 $0x28000, s5;
	_ =	strace $0x8000004A;
	s5 =	ssub.s32 $0x2, s5  }
0x9: {  	s11 =	sor.u32 $0x1C03, s11;
	s6 =	sadd.s32 s6, s4;
	s31 =	sshrl.u32 s5, $0x1  }
0xa: {  	s8 =	sshrl.u32 s8, $0x2;
	s7 =	sadd.s32 s7, s4;
	s9 =	ssub.s32 s5, s31  }
0xb: {  	s4 =	sadd.s32 $0x7FA00, s6;
	s5 =	sadd.s32 $0x84A00, s6;
	s12 =	sadd.s32 s8, s2  }
0xc: {  	s8 =	simm.s32 $0x3;
	s6 =	sadd.s32 $0x7A00, s7;
	s18 =	sadd.s32 $0x89A00, s7  }
0xd: {  	s7 =	smax.u32 s9, $0x1;
	s9 =	simm.s32 $0x2800;
	s12 =	sshrl.u32 s12, $0x3  }
0xe: {  	s10 =	sadd.s32 s17, s6;
	s17 =	sadd.s32 s17, s18;
	s18 =	simm.s32 $0x0  }
.LBB2_1:
0xf: {  	[tilespmem:s3], [sflag:$0x3] =	stream.linear.gather [hbm4b:s4+s3], $0x2780, $0x38;
	[tilespmem:$0x1D000] =	vst v63  }
0x10: {  	_ =	swait.ge [sflag:s8], $0x2780  }
0x11: {  	[sflag:s8] =	ssyncset.done $0x0  }
0x12: {  	[sflag:s8] =	ssyncadd.s32 $0xFFFFD880  }
0x13: {  	[tilespmem:s9], [sflag:$0x3] =	stream.linear.gather [hbm4b:s5+s3], $0x2780, $0x38;
	[tilespmem:$0x1D000] =	vst v63  }
0x14: {  	_ =	swait.ge [sflag:s8], $0x2780  }
0x15: {  	[sflag:s8] =	ssyncset.done $0x0  }
0x16: {  	[sflag:s8] =	ssyncadd.s32 $0xFFFFD880  }
0x17: {  	[spmem:s12], [sflag:s11] =	dma.local [hbm:s10], $0x2800  }
0x18: {  	_ =	swait.ge [sflag:s8], $0x2800  }
0x19: {  	[sflag:s8] =	ssyncset.done $0x0  }
0x1a: {  	[sflag:s8] =	ssyncadd.s32 $0xFFFFD800  }
0x1b: {  	s19 =	simm.s32 $0x0;
	[bflag:$0x0] =	sbarrier.arrive $0xFFFF  }
0x1c: {  	[tilespmem:s14], [sflag:$0x1] =	stream.indirect.gather [hbm4b:s6+s13], $0x80, s19, s13, $0xb8;
	[tilespmem:$0x1D000] =	vst v63  }
0x1d: {  	_ =	swait.ge [sflag:s15], $0x4000  }
0x1e: {  	[sflag:s15] =	ssyncset.done $0x0  }
0x1f: {  	s31 =	simm.s32 $0x2800;
	[sflag:s15] =	ssyncadd.s32 $0xFFFFC000  }
0x20: {  	[spmem:s2] =	stream.indirect.scatter.add.f32 [tilespmem:s14], [sflag:$0x2], $0x80, s31, s13, $0xb8;
	[tilespmem:$0x1D000] =	vst v63  }
0x21: {  	_ =	swait.ge [sflag:s16], $0x4000  }
0x22: {  	s20 =	simm.s32 $0x400;
	s19 =	simm.s32 $0x200;
	[sflag:s16] =	ssyncset.done $0x0  }
.LBB2_2:
0x23: {  	s21 =	sshra.s32 s19, $0x2  }
0x24: {  	[sflag:s16] =	ssyncadd.s32 $0xFFFFC000;
	s19 =	smov.u32 s20;
	s22 =	sadd.s32 $0x200, s20  }
0x25: {  	[tilespmem:s14], [sflag:$0x1] =	stream.indirect.gather [hbm4b:s6+s13], $0x80, s21, s13, $0xb8;
	[tilespmem:$0x1D000] =	vst v63  }
0x26: {  	p0 =	sne.s32 s20, $0x9C00;
	_ =	swait.ge [sflag:s15], $0x4000  }
.Ltmp0:
0x27: {  	[sflag:s15] =	ssyncset.done $0x0;
	(pc) =	sbr.rel @p0 .LBB2_2-.Ltmp0, $4  }
0x28: {  	s20 =	sadd.s32 $0x2800, s21;
	[sflag:s15] =	ssyncadd.s32 $0xFFFFC000  }
0x29: {  	[spmem:s2] =	stream.indirect.scatter.add.f32 [tilespmem:s14], [sflag:$0x2], $0x80, s20, s13, $0xb8;
	[tilespmem:$0x1D000] =	vst v63  }
0x2a: {  	_ =	swait.ge [sflag:s16], $0x4000  }
0x2b: {  	s20 =	smov.u32 s22;
	[sflag:s16] =	ssyncset.done $0x0  }
0x2c: {  	s19 =	sshra.s32 s19, $0x2;
	[sflag:s16] =	ssyncadd.s32 $0xFFFFC000  }
0x2d: {  	[tilespmem:s14], [sflag:$0x1] =	stream.indirect.gather [hbm4b:s6+s13], $0x80, s19, s13, $0xb8;
	[tilespmem:$0x1D000] =	vst v63  }
0x2e: {  	_ =	swait.ge [sflag:s15], $0x4000  }
0x2f: {  	[sflag:s15] =	ssyncset.done $0x0  }
0x30: {  	s19 =	sadd.s32 $0x2800, s19;
	[sflag:s15] =	ssyncadd.s32 $0xFFFFC000  }
0x31: {  	[spmem:s2] =	stream.indirect.scatter.add.f32 [tilespmem:s14], [sflag:$0x2], $0x80, s19, s13, $0xb8;
	[tilespmem:$0x1D000] =	vst v63  }
0x32: {  	_ =	swait.ge [sflag:s16], $0x4000  }
0x33: {  	[sflag:s16] =	ssyncset.done $0x0  }
0x34: {  	s18 =	sadd.s32 $0x1, s18;
	[sflag:s16] =	ssyncadd.s32 $0xFFFFC000  }
0x35: {  	p0 =	sne.s32 s18, s7;
	[bflag:$0x0] =	sbarrier.arrive $0xFFFF  }
0x36: {  	[hbm:s17], [sflag:s11] =	dma.local [spmem:s12], $0x2800  }
.Ltmp1:
0x37: {  	_ =	swait.ge [sflag:s8], $0x2800;
	(pc) =	sbr.rel @p0 .LBB2_1-.Ltmp1, $3  }
0x38: {  	[sflag:s8] =	ssyncset.done $0x0  }
0x39: {  	[sflag:s8] =	ssyncadd.s32 $0xFFFFD800  }
0x3a: {  	[bflag:$0x0] =	sbarrier.arrive $0xFFFF;
	_ =	sdelay $0x1  }
0x3b: {  	_ =	sfence.sel $0x180000  }
0x3c: {  	[bflag:$0x0] =	sbarrier.arrive $0xFFFF  }
0x3d: {  	p0 =	sne.s32 s1, $0x0;
	_ =	strace $0x9000004A  }
0x3e: {  	s0 =	sadd.s32 @!p0 $0x100000, s0;
	[bflag:$0x2] =	sbarrier.arrive $0xFFFF  }
0x3f: {  	[sflag:s0] =	ssyncadd.tile.s32 @!p0 $0x1;
	_ =	shalt  }
.Lfunc_end2:
_tile_overlayer_lowered:
.L_overlay_start_2:
0x40: {  	(tag) =	ssettag $0x2  }
0x41: {  	s0 =	rddreg [dreg:$0x0];
	s2 =	stileid.u32  }
0x42: {  	s1 =	rddreg [dreg:$0x1];
	p0 =	sne.s32 s2, $0x0  }
0x43: {  	s3 =	rddreg [dreg:$0x2];
	[bflag:$0x3] =	sbarrier.arrive $0xFFFF;
	s2 =	simm.s32 @!p0 $0x1C03  }
0x44: {  	[timem:s3], [sflag:s2] =	dma.local @!p0 [hbm:s0], s1  }
0x45: {  	s0 =	simm.s32 @!p0 $0x3  }
0x46: {  	_ =	swait.ge @!p0 [sflag:s0], s1  }
0x47: {  	s1 =	ssub.s32 @!p0 $0x0, s1;
	[sflag:s0] =	ssyncset.done @!p0 $0x0  }
0x48: {  	[sflag:s0] =	ssyncadd.s32 @!p0 s1  }
0x49: {  	[bflag:$0x3] =	sbarrier.arrive $0xFFFF  }
0x4a: {  	_ =	shalt  }

// kernel: kernel.16.cloned.1.call-start
scs
__scs_entry_jumppad:
0x0: {  	(pc) =	sbr.rel $0x88, $3  }
0x1: {  	(tag) =	ssettag $0x0;
	lr =	simm.s32 $0x1  }
0x2: {  	[smem:$0x3F99] =	sst lr;
	_ =	strace $0xD0000000  }
0x3: {  	_ = 	snop  }
0x4: {  	_ = 	snop  }
0x5: {  	_ = 	snop  }
0x6: {  	_ = 	snop  }
0x7: {  	_ = 	snop  }
__scs_overlays_trampoline_lowered:
0x8: {  	[smem:$0x3FA8] =	sst s0  }
0x9: {  	[smem:$0x3FA9] =	sst s1  }
0xa: {  	[smem:$0x3FAA] =	sst s2  }
0xb: {  	[smem:$0x3FAB] =	sst s3  }
0xc: {  	[smem:$0x3FAC] =	sst s4  }
0xd: {  	[smem:$0x3FAD] =	sst s5  }
0xe: {  	[smem:$0x3FAE] =	sst s6  }
0xf: {  	[smem:$0x3FAF] =	sst s7  }
0x10: {  	[smem:$0x3FB0] =	sst s8  }
0x11: {  	[smem:$0x3FB1] =	sst s9;
	s0 =	simm.s32 @!p0 $0x0  }
0x12: {  	s1 =	sld [smem:$0x3F97];
	s0 =	simm.s32 @p0 $0x1  }
0x13: {  	[smem:$0x3FB2] =	sst s0;
	s0 =	simm.s32 @!p1 $0x0  }
0x14: {  	s2 =	sld [smem:$0x3F96];
	s0 =	simm.s32 @p1 $0x1  }
0x15: {  	[smem:$0x3FB3] =	sst s0;
	s0 =	simm.s32 @!p2 $0x0  }
0x16: {  	s3 =	sld [smem:$0x3FDB];
	s0 =	simm.s32 @p2 $0x1  }
0x17: {  	s4 =	simm.s32 $0x1BF5;
	[smem:$0x3FB5] =	sst s0  }
0x18: {  	s0 =	sld [smem:$0x3F98];
	_ =	swait.ge [sflag:s4], $0x0  }
0x19: {  	s7 =	sld [smem:$0x3F99]  }
0x1a: {  	s8 =	sadd.s32 $0xFFFFE003, lr  }
0x1b: {  	s9 =	sadd.s32 $0xFFFFFEF7, lr;
	s5 =	simm.s32 $0xFFFFFFFF;
	p2 =	slt.u32 s8, $0xFFFFF086  }
0x1c: {  	p1 =	slt.u32 s9, $0xF7A;
	s5 =	simm.s32 @!p2 $0x0  }
0x1d: {  	s5 =	simm.s32 @p1 $0x1;
	p0 =	seq.s32 s7, s2  }
0x1e: {  	s7 =	smul.u32 @!p0 $0xF7A, s2;
	p2 =	seq.s32 @!p0 s5, $0x0  }
0x1f: {  	s9 =	smul.u32 $0xF7A, s1;
	s8 =	simm.s32 @!p0 $0x1BF5;
	p2 =	por !p2, p0  }
0x20: {  	[sflag:s8] =	ssyncset.s32 @!p0 $0xFFFFF086;
	s6 =	sadd.s32 @!p0 s3, s7;
	s7 =	simm.s32 @!p0 $0x108  }
0x21: {  	s3 =	sadd.s32 s3, s9;
	s6 =	sadd.s32 @!p0 $0x88, s6;
	s7 =	simm.s32 @p2 $0x1082  }
0x22: {  	[simem:s7], [sflag:s8] =	dma.local @!p0 [hbm:s6], $0xF7A  }
0x23: {  	s9 =	sor.u32 $0xD0000000, s2;
	s6 =	simm.s32 $0x108;
	_ =	swait.ge @!p0 [sflag:s8], $0x0  }
0x24: {  	s3 =	sadd.s32 $0x88, s3;
	s6 =	simm.s32 @!p1 $0x1082;
	[sflag:s4] =	ssyncset.s32 $0xFFFFF086  }
0x25: {  	[simem:s6], [sflag:s4] =	dma.local [hbm:s3], $0xF7A  }
0x26: {  	[smem:$0x3F99] =	sst s1;
	(tag) =	ssettag s2;
	_ =	strace s9  }
0x27: {  	s1 =	sld [smem:$0x3FA9]  }
0x28: {  	s2 =	sld [smem:$0x3FAA]  }
0x29: {  	s4 =	sld [smem:$0x3FAC]  }
0x2a: {  	p0 =	seq.s32 s5, $0x0;
	s5 =	sld [smem:$0x3FAD]  }
0x2b: {  	s6 =	sld [smem:$0x3FAE]  }
0x2c: {  	s7 =	sld [smem:$0x3FAF]  }
0x2d: {  	s3 =	simm.s32 $0x108;
	s8 =	sld [smem:$0x3FB0]  }
0x2e: {  	s3 =	simm.s32 @!p0 $0x1082;
	s9 =	sld [smem:$0x3FB1]  }
0x2f: {  	lr =	sadd.s32 s0, s3;
	s0 =	sld [smem:$0x3FA8]  }
0x30: {  	s3 =	sld [smem:$0x3FAB]  }
0x31: {  	[smem:$0x3FB4] =	sst s10  }
0x32: {  	s10 =	sld [smem:$0x3FB2];
	_ =	sdelay $0x3  }
0x33: {  	p0 =	seq.s32 s10, $0x1;
	s10 =	sld [smem:$0x3FB4];
	_ =	sdelay $0x3  }
0x34: {  	[smem:$0x3FB4] =	sst s10  }
0x35: {  	s10 =	sld [smem:$0x3FB3];
	_ =	sdelay $0x3  }
0x36: {  	p1 =	seq.s32 s10, $0x1;
	s10 =	sld [smem:$0x3FB4];
	_ =	sdelay $0x3  }
0x37: {  	[smem:$0x3FB4] =	sst s10  }
0x38: {  	s10 =	sld [smem:$0x3FB5]  }
0x39: {  	_ = 	snop;
	(pc) =	sbr.ind lr, $3  }
0x3a: {  	_ = 	snop  }
0x3b: {  	_ = 	snop  }
0x3c: {  	p2 =	seq.s32 s10, $0x1;
	s10 =	sld [smem:$0x3FB4]  }
0x3d: {  	_ =	shalt  }
0x3e: {  	_ =	shalt  }
0x3f: {  	_ =	shalt  }
0x40: {  	_ =	shalt  }
0x41: {  	_ =	shalt  }
0x42: {  	_ =	shalt  }
0x43: {  	_ =	shalt  }
0x44: {  	_ =	shalt  }
0x45: {  	_ =	shalt  }
0x46: {  	_ =	shalt  }
0x47: {  	_ =	shalt  }
0x48: {  	_ =	shalt  }
0x49: {  	_ =	shalt  }
0x4a: {  	_ =	shalt  }
0x4b: {  	_ =	shalt  }
0x4c: {  	_ =	shalt  }
0x4d: {  	_ =	shalt  }
0x4e: {  	_ =	shalt  }
0x4f: {  	_ =	shalt  }
0x50: {  	_ =	shalt  }
0x51: {  	_ =	shalt  }
0x52: {  	_ =	shalt  }
0x53: {  	_ =	shalt  }
0x54: {  	_ =	shalt  }
0x55: {  	_ =	shalt  }
0x56: {  	_ =	shalt  }
0x57: {  	_ =	shalt  }
0x58: {  	_ =	shalt  }
0x59: {  	_ =	shalt  }
0x5a: {  	_ =	shalt  }
0x5b: {  	_ =	shalt  }
0x5c: {  	_ =	shalt  }
0x5d: {  	_ =	shalt  }
0x5e: {  	_ =	shalt  }
0x5f: {  	_ =	shalt  }
0x60: {  	_ =	shalt  }
0x61: {  	_ =	shalt  }
0x62: {  	_ =	shalt  }
0x63: {  	_ =	shalt  }
0x64: {  	_ =	shalt  }
0x65: {  	_ =	shalt  }
0x66: {  	_ =	shalt  }
0x67: {  	_ =	shalt  }
0x68: {  	_ =	shalt  }
0x69: {  	_ =	shalt  }
0x6a: {  	_ =	shalt  }
0x6b: {  	_ =	shalt  }
0x6c: {  	_ =	shalt  }
0x6d: {  	_ =	shalt  }
0x6e: {  	_ =	shalt  }
0x6f: {  	_ =	shalt  }
0x70: {  	_ =	shalt  }
0x71: {  	_ =	shalt  }
0x72: {  	_ =	shalt  }
0x73: {  	_ =	shalt  }
0x74: {  	_ =	shalt  }
0x75: {  	_ =	shalt  }
0x76: {  	_ =	shalt  }
0x77: {  	_ =	shalt  }
0x78: {  	_ =	shalt  }
0x79: {  	_ =	shalt  }
0x7a: {  	_ =	shalt  }
0x7b: {  	_ =	shalt  }
0x7c: {  	_ =	shalt  }
0x7d: {  	_ =	shalt  }
0x7e: {  	_ =	shalt  }
0x7f: {  	_ =	shalt  }
0x80: {  	_ =	shalt  }
0x81: {  	_ =	shalt  }
0x82: {  	_ =	shalt  }
0x83: {  	_ =	shalt  }
0x84: {  	_ =	shalt  }
0x85: {  	_ =	shalt  }
0x86: {  	_ =	shalt  }
0x87: {  	_ =	shalt  }
.Lfunc_end0:
.L_simem_size_0:
called_computation.2_lowered:
.L_overlay_start_0:
0x88: {  	s2 =	sld [smem:$0x3FD9]  }
0x89: {  	s3 =	sld [smem:$0x3FFE];
	_ =	sdelay $0x1  }
0x8a: {  	s1 =	srdreg.scid  }
0x8b: {  	s0 =	sand.u32 $0x1, s1  }
0x8c: {  	s16 =	sshll.u32 s0, $0xA;
	s2 =	sadd.s32 s3, s2  }
0x8d: {  	s2 =	sadd.s32 s2, s16  }
0x8e: {  	[smem:$0x3FC0] =	sst s2  }
0x8f: {  	_ = 	snop  }
0x90: {  	(tm) =	ssettm $0x1  }
0x91: {  	s17 =	sld [smem:$0x3FFB];
	_ =	sdelay $0x3  }
0x92: {  	_ =	strace s17  }
0x93: {  	s2 =	sld [smem:$0x3FFC];
	_ =	sdelay $0x3  }
0x94: {  	_ =	strace s2  }
0x95: {  	s2 =	sld [smem:$0x3FFD];
	_ =	sdelay $0x3  }
0x96: {  	_ =	strace s2  }
0x97: {  	_ =	strace $0x8FFFFFFF  }
0x98: {  	s18 =	sld [smem:$0x3FDB];
	_ =	sdelay $0x1  }
0x99: {  	s19 =	simm.s32 $_scs_section_size  }
0x9a: {  	s4 =	simm.s32 $_size__tile_overlayer_lowered;
	s5 =	simm.s32 $_tile_overlayer_lowered  }
0x9b: {  	s22 =	simm.s32 $0x1BFF;
	s21 =	sshll.u32 s5, $0x1;
	s2 =	sadd.s32 s19, s18  }
0x9c: {  	s6 =	simm.s32 $0x0;
	s20 =	sshll.u32 s4, $0x1;
	s4 =	sadd.s32 s21, s2  }
0x9d: {  	[timem:s6], [sflag:s22] =	dma.local [hbm:s4], s20  }
0x9e: {  	_ =	swait.ge [sflag:s22], s20  }
0x9f: {  	s3 =	ssub.s32 $0x0, s20;
	[sflag:s22] =	ssyncset.done $0x0  }
0xa0: {  	[sflag:s22] =	ssyncadd.s32 s3;
	_ =	sdelay $0x1  }
0xa1: {  	s23 =	simm.s32 $0x1B8B  }
0xa2: {  	_ =	swait.ge [sflag:s23], $0x1  }
0xa3: {  	[sflag:s23] =	ssyncset.done $0x0  }
0xa4: {  	s25 =	simm.s32 $0x1B8E;
	s24 =	sld [smem:$0x3FFE];
	[sflag:s23] =	ssyncadd.s32 $0xFFFFFFFF  }
0xa5: {  	s26 =	simm.s32 $execute0_lowered;
	[smem:$0x3FD2] =	sst s25  }
0xa6: {  	s4 =	sshll.u32 s26, $0x1;
	_ =	strace $0x8000004C;
	[dreg:$0x1] =	wrdreg $0xFFFFFFFF  }
0xa7: {  	s28 =	simm.s32 $_size_execute0_lowered;
	s2 =	sadd.s32 s2, s4;
	[dreg:$0x0] =	wrdreg $0x0  }
0xa8: {  	s4 =	sshll.u32 s28, $0x1;
	[dreg:$0x2] =	wrdreg s2  }
0xa9: {  	[dreg:$0x3] =	wrdreg s4  }
0xaa: {  	[dreg:$0x4] =	wrdreg $0xC0  }
0xab: {  	_ =	task [dreg:s6], $0x5FFFF  }
0xac: {  	[dreg:$0x1] =	wrdreg $0xFFFFFFFF  }
0xad: {  	[dreg:$0x0] =	wrdreg $0x60  }
0xae: {  	[dreg:$0x2] =	wrdreg s24  }
0xaf: {  	[dreg:$0x3] =	wrdreg $0x90000  }
0xb0: {  	[dreg:$0x4] =	wrdreg $0x9  }
0xb1: {  	_ =	task.clear_ibuf [dreg:s6], $0x5FFFF;
	_ =	strace $0x9000004C  }
0xb2: {  	s29 =	simm.s32 $0x9;
	_ =	strace $0x8000004E  }
0xb3: {  	_ =	swait.ge [sflag:s29], $0x1  }
0xb4: {  	[sflag:s29] =	ssyncadd.s32 $0xFFFFFFFF  }
0xb5: {  	_ =	strace $0x9000004E  }
0xb6: {  	_ =	sfence  }
0xb7: {  	s30 =	sld [smem:$0x0];
	_ =	sdelay $0x2  }
0xb8: {  	s31 =	sshll.u32 s1, $0xD;
	s1 =	sshrl.u32 s1, $0x2  }
0xb9: {  	s3 =	sand.u32 $0x4000, s31;
	s1 =	sadd.s32 s1, s30  }
0xba: {  	s0 =	sor.u32 s3, s0;
	s1 =	sshll.u32 s1, $0x11  }
0xbb: {  	s0 =	sor.u32 s1, s0  }
0xbc: {  	s0 =	sadd.s32 $0x8F2B, s0  }
0xbd: {  	[sflag:s0] =	ssyncadd.remote.s32 $0x1  }
0xbe: {  	_ =	sfence.sel $0xFFFF  }
0xbf: {  	[dreg:$0x0] =	wrdreg $0xFFFFFFFF;
	(pc) =	sbr.abs _section_cstart, $3  }
0xc0: {  	[dreg:$0x1] =	wrdreg $0xFFFFFFFF  }
0xc1: {  	_ =	task.clear_ibuf [dreg:s6], $0x2FFFF;
	_ =	strace $0x9FFFFFFF  }
0xc2: {  	(tm) =	ssettm $0x7FFFFFFF  }
0xc3: {  	_ =	shalt  }
tec
execute0_lowered:
.L_overlay_start_1:
0x0: {  	(tag) =	ssettag $0x1  }
0x1: {  	s4 =	rddreg [dreg:$0x0]  }
0x2: {  	s2 =	rddreg [dreg:$0x1]  }
0x3: {  	s0 =	rddreg [dreg:$0x2]  }
0x4: {  	s3 =	simm.s32 $0x0;
	s1 =	stileid.u32;
	s5 =	srdreg.scid  }
0x5: {  	s14 =	simm.s32 $0x80;
	s15 =	simm.s32 $0x5000;
	s16 =	simm.s32 $0x1  }
0x6: {  	s17 =	simm.s32 $0x2;
	[smem:$0x7FF] =	sst s3;
	s6 =	smul.u32 $0x500, s1  }
0x7: {  	s5 =	sand.u32 $0x1, s5;
	s7 =	sadd.s32 $0x89A00, s4;
	s10 =	smul.u32 $0x50000, s1  }
0x8: {  	s11 =	sadd.s32 $0x129A00, s4;
	s20 =	smul.u32 $0x2800, s1;
	s31 =	sshll.u32 s1, $0x6  }
0x9: {  	_ =	strace $0x8000004D;
	s8 =	ssub.s32 $0x2, s5;
	s30 =	smul.u32 $0x280000, s5  }
0xa: {  	s12 =	smul.u32 $0x50000, s5;
	s6 =	sadd.s32 s6, s4;
	s9 =	sshrl.u32 s8, $0x1  }
0xb: {  	s10 =	sshrl.u32 s10, $0x2;
	s8 =	ssub.s32 s8, s9;
	s4 =	sadd.s32 $0x7FA00, s6  }
0xc: {  	s5 =	sadd.s32 $0x84A00, s6;
	s13 =	sadd.s32 s10, s2;
	s9 =	sshrl.u32 s30, $0x3  }
0xd: {  	s6 =	sadd.s32 s7, s12;
	s18 =	sadd.s32 s11, s12;
	s10 =	simm.s32 $0x2800  }
0xe: {  	s12 =	sor.u32 $0x1C03, s31;
	s9 =	sadd.s32 $0x28000, s9;
	s8 =	smax.u32 s8, $0x1  }
0xf: {  	s13 =	sshrl.u32 s13, $0x3;
	s18 =	sadd.s32 s20, s18;
	s7 =	sadd.s32 s7, s9  }
0x10: {  	s21 =	sadd.s32 s11, s9;
	s9 =	simm.s32 $0x3;
	s11 =	sadd.s32 s20, s6  }
0x11: {  	s19 =	sadd.s32 s20, s7;
	s20 =	sadd.s32 s20, s21;
	s21 =	simm.s32 $0x0  }
.LBB2_1:
0x12: {  	[tilespmem:s3], [sflag:$0x3] =	stream.linear.gather [hbm4b:s4+s3], $0x2780, $0x38;
	[tilespmem:$0x1D000] =	vst v63  }
0x13: {  	_ =	swait.ge [sflag:s9], $0x2780  }
0x14: {  	[sflag:s9] =	ssyncset.done $0x0  }
0x15: {  	[sflag:s9] =	ssyncadd.s32 $0xFFFFD880  }
0x16: {  	[tilespmem:s10], [sflag:$0x3] =	stream.linear.gather [hbm4b:s5+s3], $0x2780, $0x38;
	[tilespmem:$0x1D000] =	vst v63  }
0x17: {  	_ =	swait.ge [sflag:s9], $0x2780  }
0x18: {  	[sflag:s9] =	ssyncset.done $0x0  }
0x19: {  	[sflag:s9] =	ssyncadd.s32 $0xFFFFD880  }
0x1a: {  	[spmem:s13], [sflag:s12] =	dma.local [hbm:s11], $0x2800  }
0x1b: {  	_ =	swait.ge [sflag:s9], $0x2800  }
0x1c: {  	[sflag:s9] =	ssyncset.done $0x0  }
0x1d: {  	[sflag:s9] =	ssyncadd.s32 $0xFFFFD800  }
0x1e: {  	s22 =	simm.s32 $0x0;
	[bflag:$0x0] =	sbarrier.arrive $0xFFFF  }
0x1f: {  	[tilespmem:s15], [sflag:$0x1] =	stream.indirect.gather [hbm4b:s6+s14], $0x80, s22, s14, $0xb8;
	[tilespmem:$0x1D000] =	vst v63  }
0x20: {  	_ =	swait.ge [sflag:s16], $0x4000  }
0x21: {  	[sflag:s16] =	ssyncset.done $0x0  }
0x22: {  	s31 =	simm.s32 $0x2800;
	[sflag:s16] =	ssyncadd.s32 $0xFFFFC000  }
0x23: {  	[spmem:s2] =	stream.indirect.scatter.add.f32 [tilespmem:s15], [sflag:$0x2], $0x80, s31, s14, $0xb8;
	[tilespmem:$0x1D000] =	vst v63  }
0x24: {  	_ =	swait.ge [sflag:s17], $0x4000  }
0x25: {  	s23 =	simm.s32 $0x400;
	s22 =	simm.s32 $0x200;
	[sflag:s17] =	ssyncset.done $0x0  }
.LBB2_2:
0x26: {  	s24 =	sshra.s32 s22, $0x2  }
0x27: {  	[sflag:s17] =	ssyncadd.s32 $0xFFFFC000;
	s22 =	smov.u32 s23;
	s25 =	sadd.s32 $0x200, s23  }
0x28: {  	[tilespmem:s15], [sflag:$0x1] =	stream.indirect.gather [hbm4b:s6+s14], $0x80, s24, s14, $0xb8;
	[tilespmem:$0x1D000] =	vst v63  }
0x29: {  	p0 =	sne.s32 s23, $0x9C00;
	_ =	swait.ge [sflag:s16], $0x4000  }
.Ltmp0:
0x2a: {  	[sflag:s16] =	ssyncset.done $0x0;
	(pc) =	sbr.rel @p0 .LBB2_2-.Ltmp0, $4  }
0x2b: {  	s23 =	sadd.s32 $0x2800, s24;
	[sflag:s16] =	ssyncadd.s32 $0xFFFFC000  }
0x2c: {  	[spmem:s2] =	stream.indirect.scatter.add.f32 [tilespmem:s15], [sflag:$0x2], $0x80, s23, s14, $0xb8;
	[tilespmem:$0x1D000] =	vst v63  }
0x2d: {  	_ =	swait.ge [sflag:s17], $0x4000  }
0x2e: {  	s23 =	smov.u32 s25;
	[sflag:s17] =	ssyncset.done $0x0  }
0x2f: {  	s22 =	sshra.s32 s22, $0x2;
	[sflag:s17] =	ssyncadd.s32 $0xFFFFC000  }
0x30: {  	[tilespmem:s15], [sflag:$0x1] =	stream.indirect.gather [hbm4b:s6+s14], $0x80, s22, s14, $0xb8;
	[tilespmem:$0x1D000] =	vst v63  }
0x31: {  	_ =	swait.ge [sflag:s16], $0x4000  }
0x32: {  	[sflag:s16] =	ssyncset.done $0x0  }
0x33: {  	s22 =	sadd.s32 $0x2800, s22;
	[sflag:s16] =	ssyncadd.s32 $0xFFFFC000  }
0x34: {  	[spmem:s2] =	stream.indirect.scatter.add.f32 [tilespmem:s15], [sflag:$0x2], $0x80, s22, s14, $0xb8;
	[tilespmem:$0x1D000] =	vst v63  }
0x35: {  	_ =	swait.ge [sflag:s17], $0x4000  }
0x36: {  	[sflag:s17] =	ssyncset.done $0x0  }
0x37: {  	[sflag:s17] =	ssyncadd.s32 $0xFFFFC000  }
0x38: {  	[bflag:$0x0] =	sbarrier.arrive $0xFFFF  }
0x39: {  	[hbm:s18], [sflag:s12] =	dma.local [spmem:s13], $0x2800  }
0x3a: {  	_ =	swait.ge [sflag:s9], $0x2800  }
0x3b: {  	[sflag:s9] =	ssyncset.done $0x0  }
0x3c: {  	[sflag:s9] =	ssyncadd.s32 $0xFFFFD800  }
0x3d: {  	[bflag:$0x0] =	sbarrier.arrive $0xFFFF  }
0x3e: {  	[spmem:s13], [sflag:s12] =	dma.local [hbm:s19], $0x2800  }
0x3f: {  	_ =	swait.ge [sflag:s9], $0x2800  }
0x40: {  	[sflag:s9] =	ssyncset.done $0x0  }
0x41: {  	[sflag:s9] =	ssyncadd.s32 $0xFFFFD800  }
0x42: {  	s30 =	simm.s32 $0x0;
	[bflag:$0x0] =	sbarrier.arrive $0xFFFF  }
0x43: {  	[tilespmem:s15], [sflag:$0x1] =	stream.indirect.gather [hbm4b:s7+s14], $0x80, s30, s14, $0xb8;
	[tilespmem:$0x1D000] =	vst v63  }
0x44: {  	_ =	swait.ge [sflag:s16], $0x4000  }
0x45: {  	[sflag:s16] =	ssyncset.done $0x0  }
0x46: {  	s31 =	simm.s32 $0x2800;
	[sflag:s16] =	ssyncadd.s32 $0xFFFFC000  }
0x47: {  	[spmem:s2] =	stream.indirect.scatter.add.f32 [tilespmem:s15], [sflag:$0x2], $0x80, s31, s14, $0xb8;
	[tilespmem:$0x1D000] =	vst v63  }
0x48: {  	_ =	swait.ge [sflag:s17], $0x4000  }
0x49: {  	s23 =	simm.s32 $0x400;
	s22 =	simm.s32 $0x200;
	[sflag:s17] =	ssyncset.done $0x0  }
.LBB2_4:
0x4a: {  	s24 =	sshra.s32 s22, $0x2  }
0x4b: {  	[sflag:s17] =	ssyncadd.s32 $0xFFFFC000;
	s22 =	smov.u32 s23;
	s25 =	sadd.s32 $0x200, s23  }
0x4c: {  	[tilespmem:s15], [sflag:$0x1] =	stream.indirect.gather [hbm4b:s7+s14], $0x80, s24, s14, $0xb8;
	[tilespmem:$0x1D000] =	vst v63  }
0x4d: {  	p0 =	sne.s32 s23, $0x9C00;
	_ =	swait.ge [sflag:s16], $0x4000  }
.Ltmp1:
0x4e: {  	[sflag:s16] =	ssyncset.done $0x0;
	(pc) =	sbr.rel @p0 .LBB2_4-.Ltmp1, $4  }
0x4f: {  	s23 =	sadd.s32 $0x2800, s24;
	[sflag:s16] =	ssyncadd.s32 $0xFFFFC000  }
0x50: {  	[spmem:s2] =	stream.indirect.scatter.add.f32 [tilespmem:s15], [sflag:$0x2], $0x80, s23, s14, $0xb8;
	[tilespmem:$0x1D000] =	vst v63  }
0x51: {  	_ =	swait.ge [sflag:s17], $0x4000  }
0x52: {  	s23 =	smov.u32 s25;
	[sflag:s17] =	ssyncset.done $0x0  }
0x53: {  	s22 =	sshra.s32 s22, $0x2;
	[sflag:s17] =	ssyncadd.s32 $0xFFFFC000  }
0x54: {  	[tilespmem:s15], [sflag:$0x1] =	stream.indirect.gather [hbm4b:s7+s14], $0x80, s22, s14, $0xb8;
	[tilespmem:$0x1D000] =	vst v63  }
0x55: {  	_ =	swait.ge [sflag:s16], $0x4000  }
0x56: {  	[sflag:s16] =	ssyncset.done $0x0  }
0x57: {  	s22 =	sadd.s32 $0x2800, s22;
	[sflag:s16] =	ssyncadd.s32 $0xFFFFC000  }
0x58: {  	[spmem:s2] =	stream.indirect.scatter.add.f32 [tilespmem:s15], [sflag:$0x2], $0x80, s22, s14, $0xb8;
	[tilespmem:$0x1D000] =	vst v63  }
0x59: {  	_ =	swait.ge [sflag:s17], $0x4000  }
0x5a: {  	[sflag:s17] =	ssyncset.done $0x0  }
0x5b: {  	s21 =	sadd.s32 $0x1, s21;
	[sflag:s17] =	ssyncadd.s32 $0xFFFFC000  }
0x5c: {  	p0 =	sne.s32 s21, s8;
	[bflag:$0x0] =	sbarrier.arrive $0xFFFF  }
0x5d: {  	[hbm:s20], [sflag:s12] =	dma.local [spmem:s13], $0x2800  }
.Ltmp2:
0x5e: {  	_ =	swait.ge [sflag:s9], $0x2800;
	(pc) =	sbr.rel @p0 .LBB2_1-.Ltmp2, $3  }
0x5f: {  	[sflag:s9] =	ssyncset.done $0x0  }
0x60: {  	[sflag:s9] =	ssyncadd.s32 $0xFFFFD800  }
0x61: {  	[bflag:$0x0] =	sbarrier.arrive $0xFFFF;
	_ =	sdelay $0x1  }
0x62: {  	_ =	sfence.sel $0x180000  }
0x63: {  	[bflag:$0x0] =	sbarrier.arrive $0xFFFF  }
0x64: {  	p0 =	sne.s32 s1, $0x0;
	_ =	strace $0x9000004D  }
0x65: {  	s0 =	sadd.s32 @!p0 $0x100000, s0;
	[bflag:$0x2] =	sbarrier.arrive $0xFFFF  }
0x66: {  	[sflag:s0] =	ssyncadd.tile.s32 @!p0 $0x1;
	_ =	shalt  }
.Lfunc_end2:
_tile_overlayer_lowered:
.L_overlay_start_2:
0x67: {  	(tag) =	ssettag $0x2  }
0x68: {  	s0 =	rddreg [dreg:$0x0];
	s2 =	stileid.u32  }
0x69: {  	s1 =	rddreg [dreg:$0x1];
	p0 =	sne.s32 s2, $0x0  }
0x6a: {  	s3 =	rddreg [dreg:$0x2];
	[bflag:$0x3] =	sbarrier.arrive $0xFFFF;
	s2 =	simm.s32 @!p0 $0x1C03  }
0x6b: {  	[timem:s3], [sflag:s2] =	dma.local @!p0 [hbm:s0], s1  }
0x6c: {  	s0 =	simm.s32 @!p0 $0x3  }
0x6d: {  	_ =	swait.ge @!p0 [sflag:s0], s1  }
0x6e: {  	s1 =	ssub.s32 @!p0 $0x0, s1;
	[sflag:s0] =	ssyncset.done @!p0 $0x0  }
0x6f: {  	[sflag:s0] =	ssyncadd.s32 @!p0 s1  }
0x70: {  	[bflag:$0x3] =	sbarrier.arrive $0xFFFF  }
0x71: {  	_ =	shalt  }

// kernel: kernel.19.cloned.1.call-start
scs
__scs_entry_jumppad:
0x0: {  	(pc) =	sbr.rel $0x88, $3  }
0x1: {  	(tag) =	ssettag $0x0;
	lr =	simm.s32 $0x1  }
0x2: {  	[smem:$0x3F99] =	sst lr;
	_ =	strace $0xD0000000  }
0x3: {  	_ = 	snop  }
0x4: {  	_ = 	snop  }
0x5: {  	_ = 	snop  }
0x6: {  	_ = 	snop  }
0x7: {  	_ = 	snop  }
__scs_overlays_trampoline_lowered:
0x8: {  	[smem:$0x3FA8] =	sst s0  }
0x9: {  	[smem:$0x3FA9] =	sst s1  }
0xa: {  	[smem:$0x3FAA] =	sst s2  }
0xb: {  	[smem:$0x3FAB] =	sst s3  }
0xc: {  	[smem:$0x3FAC] =	sst s4  }
0xd: {  	[smem:$0x3FAD] =	sst s5  }
0xe: {  	[smem:$0x3FAE] =	sst s6  }
0xf: {  	[smem:$0x3FAF] =	sst s7  }
0x10: {  	[smem:$0x3FB0] =	sst s8  }
0x11: {  	[smem:$0x3FB1] =	sst s9;
	s0 =	simm.s32 @!p0 $0x0  }
0x12: {  	s1 =	sld [smem:$0x3F97];
	s0 =	simm.s32 @p0 $0x1  }
0x13: {  	[smem:$0x3FB2] =	sst s0;
	s0 =	simm.s32 @!p1 $0x0  }
0x14: {  	s2 =	sld [smem:$0x3F96];
	s0 =	simm.s32 @p1 $0x1  }
0x15: {  	[smem:$0x3FB3] =	sst s0;
	s0 =	simm.s32 @!p2 $0x0  }
0x16: {  	s3 =	sld [smem:$0x3FDB];
	s0 =	simm.s32 @p2 $0x1  }
0x17: {  	s4 =	simm.s32 $0x1BF5;
	[smem:$0x3FB5] =	sst s0  }
0x18: {  	s0 =	sld [smem:$0x3F98];
	_ =	swait.ge [sflag:s4], $0x0  }
0x19: {  	s7 =	sld [smem:$0x3F99]  }
0x1a: {  	s8 =	sadd.s32 $0xFFFFE003, lr  }
0x1b: {  	s9 =	sadd.s32 $0xFFFFFEF7, lr;
	s5 =	simm.s32 $0xFFFFFFFF;
	p2 =	slt.u32 s8, $0xFFFFF086  }
0x1c: {  	p1 =	slt.u32 s9, $0xF7A;
	s5 =	simm.s32 @!p2 $0x0  }
0x1d: {  	s5 =	simm.s32 @p1 $0x1;
	p0 =	seq.s32 s7, s2  }
0x1e: {  	s7 =	smul.u32 @!p0 $0xF7A, s2;
	p2 =	seq.s32 @!p0 s5, $0x0  }
0x1f: {  	s9 =	smul.u32 $0xF7A, s1;
	s8 =	simm.s32 @!p0 $0x1BF5;
	p2 =	por !p2, p0  }
0x20: {  	[sflag:s8] =	ssyncset.s32 @!p0 $0xFFFFF086;
	s6 =	sadd.s32 @!p0 s3, s7;
	s7 =	simm.s32 @!p0 $0x108  }
0x21: {  	s3 =	sadd.s32 s3, s9;
	s6 =	sadd.s32 @!p0 $0x88, s6;
	s7 =	simm.s32 @p2 $0x1082  }
0x22: {  	[simem:s7], [sflag:s8] =	dma.local @!p0 [hbm:s6], $0xF7A  }
0x23: {  	s9 =	sor.u32 $0xD0000000, s2;
	s6 =	simm.s32 $0x108;
	_ =	swait.ge @!p0 [sflag:s8], $0x0  }
0x24: {  	s3 =	sadd.s32 $0x88, s3;
	s6 =	simm.s32 @!p1 $0x1082;
	[sflag:s4] =	ssyncset.s32 $0xFFFFF086  }
0x25: {  	[simem:s6], [sflag:s4] =	dma.local [hbm:s3], $0xF7A  }
0x26: {  	[smem:$0x3F99] =	sst s1;
	(tag) =	ssettag s2;
	_ =	strace s9  }
0x27: {  	s1 =	sld [smem:$0x3FA9]  }
0x28: {  	s2 =	sld [smem:$0x3FAA]  }
0x29: {  	s4 =	sld [smem:$0x3FAC]  }
0x2a: {  	p0 =	seq.s32 s5, $0x0;
	s5 =	sld [smem:$0x3FAD]  }
0x2b: {  	s6 =	sld [smem:$0x3FAE]  }
0x2c: {  	s7 =	sld [smem:$0x3FAF]  }
0x2d: {  	s3 =	simm.s32 $0x108;
	s8 =	sld [smem:$0x3FB0]  }
0x2e: {  	s3 =	simm.s32 @!p0 $0x1082;
	s9 =	sld [smem:$0x3FB1]  }
0x2f: {  	lr =	sadd.s32 s0, s3;
	s0 =	sld [smem:$0x3FA8]  }
0x30: {  	s3 =	sld [smem:$0x3FAB]  }
0x31: {  	[smem:$0x3FB4] =	sst s10  }
0x32: {  	s10 =	sld [smem:$0x3FB2];
	_ =	sdelay $0x3  }
0x33: {  	p0 =	seq.s32 s10, $0x1;
	s10 =	sld [smem:$0x3FB4];
	_ =	sdelay $0x3  }
0x34: {  	[smem:$0x3FB4] =	sst s10  }
0x35: {  	s10 =	sld [smem:$0x3FB3];
	_ =	sdelay $0x3  }
0x36: {  	p1 =	seq.s32 s10, $0x1;
	s10 =	sld [smem:$0x3FB4];
	_ =	sdelay $0x3  }
0x37: {  	[smem:$0x3FB4] =	sst s10  }
0x38: {  	s10 =	sld [smem:$0x3FB5]  }
0x39: {  	_ = 	snop;
	(pc) =	sbr.ind lr, $3  }
0x3a: {  	_ = 	snop  }
0x3b: {  	_ = 	snop  }
0x3c: {  	p2 =	seq.s32 s10, $0x1;
	s10 =	sld [smem:$0x3FB4]  }
0x3d: {  	_ =	shalt  }
0x3e: {  	_ =	shalt  }
0x3f: {  	_ =	shalt  }
0x40: {  	_ =	shalt  }
0x41: {  	_ =	shalt  }
0x42: {  	_ =	shalt  }
0x43: {  	_ =	shalt  }
0x44: {  	_ =	shalt  }
0x45: {  	_ =	shalt  }
0x46: {  	_ =	shalt  }
0x47: {  	_ =	shalt  }
0x48: {  	_ =	shalt  }
0x49: {  	_ =	shalt  }
0x4a: {  	_ =	shalt  }
0x4b: {  	_ =	shalt  }
0x4c: {  	_ =	shalt  }
0x4d: {  	_ =	shalt  }
0x4e: {  	_ =	shalt  }
0x4f: {  	_ =	shalt  }
0x50: {  	_ =	shalt  }
0x51: {  	_ =	shalt  }
0x52: {  	_ =	shalt  }
0x53: {  	_ =	shalt  }
0x54: {  	_ =	shalt  }
0x55: {  	_ =	shalt  }
0x56: {  	_ =	shalt  }
0x57: {  	_ =	shalt  }
0x58: {  	_ =	shalt  }
0x59: {  	_ =	shalt  }
0x5a: {  	_ =	shalt  }
0x5b: {  	_ =	shalt  }
0x5c: {  	_ =	shalt  }
0x5d: {  	_ =	shalt  }
0x5e: {  	_ =	shalt  }
0x5f: {  	_ =	shalt  }
0x60: {  	_ =	shalt  }
0x61: {  	_ =	shalt  }
0x62: {  	_ =	shalt  }
0x63: {  	_ =	shalt  }
0x64: {  	_ =	shalt  }
0x65: {  	_ =	shalt  }
0x66: {  	_ =	shalt  }
0x67: {  	_ =	shalt  }
0x68: {  	_ =	shalt  }
0x69: {  	_ =	shalt  }
0x6a: {  	_ =	shalt  }
0x6b: {  	_ =	shalt  }
0x6c: {  	_ =	shalt  }
0x6d: {  	_ =	shalt  }
0x6e: {  	_ =	shalt  }
0x6f: {  	_ =	shalt  }
0x70: {  	_ =	shalt  }
0x71: {  	_ =	shalt  }
0x72: {  	_ =	shalt  }
0x73: {  	_ =	shalt  }
0x74: {  	_ =	shalt  }
0x75: {  	_ =	shalt  }
0x76: {  	_ =	shalt  }
0x77: {  	_ =	shalt  }
0x78: {  	_ =	shalt  }
0x79: {  	_ =	shalt  }
0x7a: {  	_ =	shalt  }
0x7b: {  	_ =	shalt  }
0x7c: {  	_ =	shalt  }
0x7d: {  	_ =	shalt  }
0x7e: {  	_ =	shalt  }
0x7f: {  	_ =	shalt  }
0x80: {  	_ =	shalt  }
0x81: {  	_ =	shalt  }
0x82: {  	_ =	shalt  }
0x83: {  	_ =	shalt  }
0x84: {  	_ =	shalt  }
0x85: {  	_ =	shalt  }
0x86: {  	_ =	shalt  }
0x87: {  	_ =	shalt  }
.Lfunc_end0:
.L_simem_size_0:
called_computation.3_lowered:
.L_overlay_start_0:
0x88: {  	s2 =	sld [smem:$0x3FD9]  }
0x89: {  	s3 =	sld [smem:$0x3FFE];
	_ =	sdelay $0x1  }
0x8a: {  	s1 =	srdreg.scid  }
0x8b: {  	s0 =	sand.u32 $0x1, s1  }
0x8c: {  	s17 =	sshll.u32 s0, $0xA;
	s2 =	sadd.s32 s3, s2  }
0x8d: {  	s2 =	sadd.s32 s2, s17  }
0x8e: {  	[smem:$0x3FC0] =	sst s2  }
0x8f: {  	_ = 	snop  }
0x90: {  	s2 =	sld [smem:$0x3FD0];
	(tm) =	ssettm $0x1  }
0x91: {  	s18 =	sld [smem:$0x3FFB];
	_ =	sdelay $0x3  }
0x92: {  	_ =	strace s18  }
0x93: {  	s3 =	sld [smem:$0x3FFC];
	_ =	sdelay $0x3  }
0x94: {  	_ =	strace s3  }
0x95: {  	s3 =	sld [smem:$0x3FFD];
	_ =	sdelay $0x3  }
0x96: {  	_ =	strace s3  }
0x97: {  	_ =	strace $0x8FFFFFFF  }
0x98: {  	s19 =	sld [smem:$0x3FDB];
	_ =	sdelay $0x1  }
0x99: {  	s4 =	simm.s32 $_scs_section_size  }
0x9a: {  	s5 =	simm.s32 $_size__tile_overlayer_lowered;
	s6 =	simm.s32 $_tile_overlayer_lowered  }
0x9b: {  	s22 =	simm.s32 $0x1BFF;
	s21 =	sshll.u32 s6, $0x1;
	s3 =	sadd.s32 s4, s19  }
0x9c: {  	s7 =	simm.s32 $0x0;
	s20 =	sshll.u32 s5, $0x1;
	s5 =	sadd.s32 s21, s3  }
0x9d: {  	[timem:s7], [sflag:s22] =	dma.local [hbm:s5], s20  }
0x9e: {  	_ =	swait.ge [sflag:s22], s20  }
0x9f: {  	s4 =	ssub.s32 $0x0, s20;
	[sflag:s22] =	ssyncset.done $0x0  }
0xa0: {  	[sflag:s22] =	ssyncadd.s32 s4;
	_ =	sdelay $0x1  }
0xa1: {  	s23 =	simm.s32 $0x1B8B  }
0xa2: {  	_ =	swait.ge [sflag:s23], $0x1  }
0xa3: {  	[sflag:s23] =	ssyncset.done $0x0  }
0xa4: {  	s25 =	simm.s32 $0x1B8E;
	s24 =	sld [smem:$0x3FFE];
	[sflag:s23] =	ssyncadd.s32 $0xFFFFFFFF  }
0xa5: {  	s26 =	simm.s32 $execute0_lowered;
	[smem:$0x3FD2] =	sst s25  }
0xa6: {  	s5 =	sshll.u32 s26, $0x1;
	_ =	strace $0x8000004F;
	[dreg:$0x1] =	wrdreg $0xFFFFFFFF  }
0xa7: {  	s28 =	simm.s32 $_size_execute0_lowered;
	s3 =	sadd.s32 s3, s5;
	[dreg:$0x0] =	wrdreg $0x0  }
0xa8: {  	s5 =	sshll.u32 s28, $0x1;
	[dreg:$0x2] =	wrdreg s3  }
0xa9: {  	[dreg:$0x3] =	wrdreg s5  }
0xaa: {  	[dreg:$0x4] =	wrdreg $0xC0  }
0xab: {  	_ =	task [dreg:s7], $0x5FFFF  }
0xac: {  	[dreg:$0x1] =	wrdreg $0xFFFFFFFF  }
0xad: {  	[dreg:$0x0] =	wrdreg $0x60  }
0xae: {  	[dreg:$0x2] =	wrdreg s24  }
0xaf: {  	[dreg:$0x3] =	wrdreg s2  }
0xb0: {  	[dreg:$0x4] =	wrdreg $0x68000  }
0xb1: {  	[dreg:$0x5] =	wrdreg $0x9  }
0xb2: {  	_ =	task.clear_ibuf [dreg:s7], $0x6FFFF;
	_ =	strace $0x9000004F  }
0xb3: {  	s29 =	simm.s32 $0x9;
	_ =	strace $0x80000051  }
0xb4: {  	_ =	swait.ge [sflag:s29], $0x1  }
0xb5: {  	[sflag:s29] =	ssyncadd.s32 $0xFFFFFFFF  }
0xb6: {  	_ =	strace $0x90000051  }
0xb7: {  	_ =	sfence  }
0xb8: {  	s30 =	sld [smem:$0x0];
	_ =	sdelay $0x2  }
0xb9: {  	s31 =	sshll.u32 s1, $0xD;
	s1 =	sshrl.u32 s1, $0x2  }
0xba: {  	s3 =	sand.u32 $0x4000, s31;
	s1 =	sadd.s32 s1, s30  }
0xbb: {  	s0 =	sor.u32 s3, s0;
	s1 =	sshll.u32 s1, $0x11  }
0xbc: {  	s0 =	sor.u32 s1, s0  }
0xbd: {  	s0 =	sadd.s32 $0x8F2B, s0  }
0xbe: {  	[sflag:s0] =	ssyncadd.remote.s32 $0x1  }
0xbf: {  	_ =	sfence.sel $0xFFFF  }
0xc0: {  	[dreg:$0x0] =	wrdreg $0xFFFFFFFF;
	(pc) =	sbr.abs _section_cstart, $3  }
0xc1: {  	[dreg:$0x1] =	wrdreg $0xFFFFFFFF  }
0xc2: {  	_ =	task.clear_ibuf [dreg:s7], $0x2FFFF;
	_ =	strace $0x9FFFFFFF  }
0xc3: {  	(tm) =	ssettm $0x7FFFFFFF  }
tec
execute0_lowered:
.L_overlay_start_1:
0x0: {  	(tag) =	ssettag $0x1  }
0x1: {  	s5 =	rddreg [dreg:$0x0]  }
0x2: {  	s6 =	rddreg [dreg:$0x1]  }
0x3: {  	s1 =	rddreg [dreg:$0x2];
	s2 =	srdreg.scid  }
0x4: {  	s0 =	rddreg [dreg:$0x3];
	s3 =	simm.s32 $0x0;
	s13 =	simm.s32 $0x80  }
0x5: {  	s14 =	simm.s32 $0x2800;
	s15 =	simm.s32 $0x1;
	s7 =	sand.u32 $0x1, s2  }
0x6: {  	s16 =	simm.s32 $0x2;
	s2 =	stileid.u32;
	s9 =	smul.u32 $0x28000, s7  }
0x7: {  	[smem:$0x7FF] =	sst s3;
	s4 =	sshll.u32 s7, $0x4;
	s12 =	smul.u32 $0x50000, s2  }
0x8: {  	_ =	strace $0x80000050;
	s7 =	ssub.s32 $0x2, s7;
	s17 =	smul.u32 $0x2800, s2  }
0x9: {  	s31 =	sshll.u32 s2, $0x6;
	s4 =	sor.u32 s2, s4;
	s11 =	sshrl.u32 s7, $0x1  }
0xa: {  	s8 =	smul.u32 $0x280, s4;
	s4 =	sadd.s32 $0x7A00, s5;
	s30 =	sshrl.u32 s12, $0x2  }
0xb: {  	s9 =	sadd.s32 s9, s5;
	s11 =	ssub.s32 s7, s11;
	s12 =	sadd.s32 s30, s1  }
0xc: {  	s7 =	sadd.s32 s4, s17;
	s18 =	sadd.s32 $0x2FA00, s9;
	s9 =	simm.s32 $0x3  }
0xd: {  	s10 =	sadd.s32 s8, s5;
	s5 =	sadd.s32 s6, s8;
	s8 =	smax.u32 s11, $0x1  }
0xe: {  	s11 =	sor.u32 $0x1C03, s31;
	s12 =	sshrl.u32 s12, $0x3;
	s17 =	sadd.s32 s17, s18  }
0xf: {  	s18 =	simm.s32 $0x0;
	s6 =	sadd.s32 $0x2A00, s10;
	s10 =	simm.s32 $0x1400  }
.LBB2_1:
0x10: {  	[tilespmem:s3], [sflag:$0x3] =	stream.linear.gather [hbm4b:s5+s3], $0x1400, $0x38;
	[tilespmem:$0x1A800] =	vst v63  }
0x11: {  	_ =	swait.ge [sflag:s9], $0x1400  }
0x12: {  	[sflag:s9] =	ssyncset.done $0x0  }
0x13: {  	[sflag:s9] =	ssyncadd.s32 $0xFFFFEC00  }
0x14: {  	[tilespmem:s10], [sflag:$0x3] =	stream.linear.gather [hbm4b:s6+s3], $0x1400, $0x38;
	[tilespmem:$0x1A800] =	vst v63  }
0x15: {  	_ =	swait.ge [sflag:s9], $0x1400  }
0x16: {  	[sflag:s9] =	ssyncset.done $0x0  }
0x17: {  	[sflag:s9] =	ssyncadd.s32 $0xFFFFEC00  }
0x18: {  	[spmem:s12], [sflag:s11] =	dma.local [hbm:s7], $0x2800  }
0x19: {  	_ =	swait.ge [sflag:s9], $0x2800  }
0x1a: {  	[sflag:s9] =	ssyncset.done $0x0  }
0x1b: {  	[sflag:s9] =	ssyncadd.s32 $0xFFFFD800  }
0x1c: {  	s19 =	simm.s32 $0x0;
	[bflag:$0x0] =	sbarrier.arrive $0xFFFF  }
0x1d: {  	[tilespmem:s14], [sflag:$0x1] =	stream.indirect.gather [hbm4b:s4+s13], $0x80, s19, s13, $0xb8;
	[tilespmem:$0x1A800] =	vst v63  }
0x1e: {  	_ =	swait.ge [sflag:s15], $0x4000  }
0x1f: {  	[sflag:s15] =	ssyncset.done $0x0  }
0x20: {  	s31 =	simm.s32 $0x1400;
	[sflag:s15] =	ssyncadd.s32 $0xFFFFC000  }
0x21: {  	[spmem:s1] =	stream.indirect.scatter.add.f32 [tilespmem:s14], [sflag:$0x2], $0x80, s31, s13, $0xb8;
	[tilespmem:$0x1A800] =	vst v63  }
0x22: {  	_ =	swait.ge [sflag:s16], $0x4000  }
0x23: {  	s20 =	simm.s32 $0x400;
	s19 =	simm.s32 $0x200;
	[sflag:s16] =	ssyncset.done $0x0  }
.LBB2_2:
0x24: {  	s21 =	sshra.s32 s19, $0x2  }
0x25: {  	[sflag:s16] =	ssyncadd.s32 $0xFFFFC000;
	s19 =	smov.u32 s20;
	s22 =	sadd.s32 $0x200, s20  }
0x26: {  	[tilespmem:s14], [sflag:$0x1] =	stream.indirect.gather [hbm4b:s4+s13], $0x80, s21, s13, $0xb8;
	[tilespmem:$0x1A800] =	vst v63  }
0x27: {  	p0 =	sne.s32 s20, $0x4E00;
	_ =	swait.ge [sflag:s15], $0x4000  }
.Ltmp0:
0x28: {  	[sflag:s15] =	ssyncset.done $0x0;
	(pc) =	sbr.rel @p0 .LBB2_2-.Ltmp0, $4  }
0x29: {  	s20 =	sadd.s32 $0x1400, s21;
	[sflag:s15] =	ssyncadd.s32 $0xFFFFC000  }
0x2a: {  	[spmem:s1] =	stream.indirect.scatter.add.f32 [tilespmem:s14], [sflag:$0x2], $0x80, s20, s13, $0xb8;
	[tilespmem:$0x1A800] =	vst v63  }
0x2b: {  	_ =	swait.ge [sflag:s16], $0x4000  }
0x2c: {  	s20 =	smov.u32 s22;
	[sflag:s16] =	ssyncset.done $0x0  }
0x2d: {  	s19 =	sshra.s32 s19, $0x2;
	[sflag:s16] =	ssyncadd.s32 $0xFFFFC000  }
0x2e: {  	[tilespmem:s14], [sflag:$0x1] =	stream.indirect.gather [hbm4b:s4+s13], $0x80, s19, s13, $0xb8;
	[tilespmem:$0x1A800] =	vst v63  }
0x2f: {  	_ =	swait.ge [sflag:s15], $0x4000  }
0x30: {  	[sflag:s15] =	ssyncset.done $0x0  }
0x31: {  	s19 =	sadd.s32 $0x1400, s19;
	[sflag:s15] =	ssyncadd.s32 $0xFFFFC000  }
0x32: {  	[spmem:s1] =	stream.indirect.scatter.add.f32 [tilespmem:s14], [sflag:$0x2], $0x80, s19, s13, $0xb8;
	[tilespmem:$0x1A800] =	vst v63  }
0x33: {  	_ =	swait.ge [sflag:s16], $0x4000  }
0x34: {  	s18 =	sadd.s32 $0x1, s18;
	[sflag:s16] =	ssyncset.done $0x0  }
0x35: {  	p0 =	sne.s32 s18, s8;
	[sflag:s16] =	ssyncadd.s32 $0xFFFFC000  }
.Ltmp1:
0x36: {  	[bflag:$0x0] =	sbarrier.arrive $0xFFFF;
	(pc) =	sbr.rel @p0 .LBB2_1-.Ltmp1, $4  }
0x37: {  	[hbm:s17], [sflag:s11] =	dma.local [spmem:s12], $0x2800  }
0x38: {  	_ =	swait.ge [sflag:s9], $0x2800  }
0x39: {  	[sflag:s9] =	ssyncset.done $0x0  }
0x3a: {  	[sflag:s9] =	ssyncadd.s32 $0xFFFFD800  }
0x3b: {  	_ =	sfence.sel $0x180000  }
0x3c: {  	[bflag:$0x0] =	sbarrier.arrive $0xFFFF  }
0x3d: {  	p0 =	sne.s32 s2, $0x0;
	_ =	strace $0x90000050  }
0x3e: {  	s0 =	sadd.s32 @!p0 $0x100000, s0;
	[bflag:$0x2] =	sbarrier.arrive $0xFFFF  }
0x3f: {  	[sflag:s0] =	ssyncadd.tile.s32 @!p0 $0x1;
	_ =	shalt  }
.Lfunc_end2:
_tile_overlayer_lowered:
.L_overlay_start_2:
0x40: {  	(tag) =	ssettag $0x2  }
0x41: {  	s0 =	rddreg [dreg:$0x0];
	s2 =	stileid.u32  }
0x42: {  	s1 =	rddreg [dreg:$0x1];
	p0 =	sne.s32 s2, $0x0  }
0x43: {  	s3 =	rddreg [dreg:$0x2];
	[bflag:$0x3] =	sbarrier.arrive $0xFFFF;
	s2 =	simm.s32 @!p0 $0x1C03  }
0x44: {  	[timem:s3], [sflag:s2] =	dma.local @!p0 [hbm:s0], s1  }
0x45: {  	s0 =	simm.s32 @!p0 $0x3  }
0x46: {  	_ =	swait.ge @!p0 [sflag:s0], s1  }
0x47: {  	s1 =	ssub.s32 @!p0 $0x0, s1;
	[sflag:s0] =	ssyncset.done @!p0 $0x0  }
0x48: {  	[sflag:s0] =	ssyncadd.s32 @!p0 s1  }
0x49: {  	[bflag:$0x3] =	sbarrier.arrive $0xFFFF  }
0x4a: {  	_ =	shalt  }

</sc_bundles>
